<compile_context>
chip_gen: v7x
topology: tpu7x:2x2x1
jax: 0.10.2.dev20260603
libtpu: 0.0.44.dev20260713+nightly
codegen_flags: <defaults>
</compile_context>

<pallas_src>
import functools

import jax
import jax.numpy as jnp
from jax import lax
from jax.experimental import pallas as pl
from jax.experimental.pallas import tpu as pltpu
from jax.experimental.pallas import tpu_sc as plsc

E = 8
K = 2
D = 768
F = 3072
N = 2048
S = N * K
B = 256
NB = S // B + E
PTOT = NB * B
FB = 768
NF = F // FB

NC, NS = 2, 16
NW = NC * NS


def _cumsum_rows(x, n):
    c = x
    sh = 1
    while sh < n:
        c = c + jnp.concatenate(
            [jnp.zeros((sh, x.shape[1]), x.dtype), c[:-sh]], axis=0)
        sh *= 2
    return c


def _cumsum_lanes(x, n):
    c = x
    sh = 1
    while sh < n:
        c = c + jnp.concatenate(
            [jnp.zeros((x.shape[0], sh), x.dtype), c[:, :-sh]], axis=1)
        sh *= 2
    return c


def _gate_body(x_ref, wg_ref, bg_ref, gs_ref, pe_ref, po_ref, be_ref, ba_ref):
    logits = jnp.dot(x_ref[...], wg_ref[...],
                     preferred_element_type=jnp.float32) + bg_ref[...]
    col = lax.broadcasted_iota(jnp.int32, (N, E), 1)
    v0 = jnp.max(logits, axis=1, keepdims=True)
    i0 = jnp.min(jnp.where(logits == v0, col, E), axis=1, keepdims=True)
    masked = jnp.where(col == i0, -jnp.inf, logits)
    v1 = jnp.max(masked, axis=1, keepdims=True)
    i1 = jnp.min(jnp.where(masked == v1, col, E), axis=1, keepdims=True)
    e = jnp.exp(v1 - v0)
    s0 = 1.0 / (1.0 + e)
    gs_ref[...] = jnp.concatenate([s0, 1.0 - s0], axis=1)

    oh0 = (col == i0).astype(jnp.int32)
    oh1 = (col == i1).astype(jnp.int32)
    both = oh0 + oh1
    tot = jnp.sum(both, axis=0, keepdims=True)
    cex = _cumsum_rows(both, N) - both
    blocks_per_e = (tot + B - 1) // B
    cumb = _cumsum_lanes(blocks_per_e, E)
    p_off = jnp.concatenate(
        [jnp.zeros((1, 1), jnp.int32), cumb[:, :-1]], axis=1) * B
    rank0 = jnp.sum(jnp.where(col == i0, cex, 0), axis=1, keepdims=True)
    rank1 = jnp.sum(jnp.where(col == i1, cex, 0), axis=1, keepdims=True)
    off0 = jnp.sum(jnp.where(col == i0, p_off, 0), axis=1, keepdims=True)
    off1 = jnp.sum(jnp.where(col == i1, p_off, 0), axis=1, keepdims=True)
    pe_ref[...] = off0 + rank0
    po_ref[...] = off1 + rank1

    num_active = cumb[0, E - 1]
    gcol = lax.broadcasted_iota(jnp.int32, (NB, E), 0)
    be_raw = jnp.sum((gcol >= jnp.broadcast_to(cumb, (NB, E))).astype(
        jnp.int32), axis=1, keepdims=True)
    ecol = lax.broadcasted_iota(jnp.int32, (NB, E), 1)
    last_e = jnp.max(jnp.where(jnp.broadcast_to(tot, (NB, E)) > 0, ecol, 0),
                     axis=1, keepdims=True)
    gid = lax.broadcasted_iota(jnp.int32, (NB, 1), 0)
    be_ref[...] = jnp.where(gid < num_active,
                            jnp.minimum(be_raw, E - 1), last_e)
    ba_ref[...] = (gid < num_active).astype(jnp.int32)


def _gate(inp, w_gate, b_gate):
    return pl.pallas_call(
        _gate_body,
        out_shape=(jax.ShapeDtypeStruct((N, K), jnp.float32),
                   jax.ShapeDtypeStruct((N, 1), jnp.int32),
                   jax.ShapeDtypeStruct((N, 1), jnp.int32),
                   jax.ShapeDtypeStruct((NB, 1), jnp.int32),
                   jax.ShapeDtypeStruct((NB, 1), jnp.int32)),
    )(inp, w_gate, b_gate.reshape(1, E))


_CH = 64


_TPW = N // NW


@functools.cache
def _make_dispatch():

    @functools.partial(
        pl.kernel,
        out_type=jax.ShapeDtypeStruct((PTOT, D), jnp.float32),
        mesh=plsc.VectorSubcoreMesh(core_axis_name="c", subcore_axis_name="s",
                                    num_cores=NC, num_subcores=NS),
        scratch_types=[
            pltpu.VMEM((_TPW,), jnp.int32),
            pltpu.VMEM((_TPW,), jnp.int32),
            pltpu.VMEM((_TPW, D), jnp.float32),
            pltpu.SemaphoreType.DMA,
        ],
    )
    def _dispatch(inp_h, pe_h, po_h, x_h, pe_v, po_v, rows_v, sem):
        wid = lax.axis_index("s") * NC + lax.axis_index("c")
        base = wid * _TPW
        pltpu.sync_copy(inp_h.at[pl.ds(base, _TPW)], rows_v)
        pltpu.sync_copy(pe_h.at[pl.ds(base, _TPW)], pe_v)
        pltpu.sync_copy(po_h.at[pl.ds(base, _TPW)], po_v)
        a = pltpu.async_copy(rows_v, x_h.at[pe_v], sem)
        b = pltpu.async_copy(rows_v, x_h.at[po_v], sem)
        a.wait()
        b.wait()

    return _dispatch


@functools.cache
def _make_combine_gather():

    @functools.partial(
        pl.kernel,
        out_type=jax.ShapeDtypeStruct((N, 2 * D), jnp.float32),
        mesh=plsc.VectorSubcoreMesh(core_axis_name="c", subcore_axis_name="s",
                                    num_cores=NC, num_subcores=NS),
        scratch_types=[
            pltpu.VMEM((_TPW,), jnp.int32),
            pltpu.VMEM((_TPW,), jnp.int32),
            pltpu.VMEM((_TPW, D), jnp.float32),
            pltpu.VMEM((_TPW, D), jnp.float32),
            pltpu.SemaphoreType.DMA,
        ],
    )
    def _cgather(y_h, pe_h, po_h, out_h, pe_v, po_v, a_v, b_v, sem):
        wid = lax.axis_index("s") * NC + lax.axis_index("c")
        tb = wid * _TPW
        pltpu.sync_copy(pe_h.at[pl.ds(tb, _TPW)], pe_v)
        pltpu.sync_copy(po_h.at[pl.ds(tb, _TPW)], po_v)
        a = pltpu.async_copy(y_h.at[pe_v], a_v, sem)
        b = pltpu.async_copy(y_h.at[po_v], b_v, sem)
        a.wait()
        b.wait()
        pltpu.sync_copy(a_v, out_h.at[pl.ds(tb, _TPW), pl.ds(0, D)])
        pltpu.sync_copy(b_v, out_h.at[pl.ds(tb, _TPW), pl.ds(D, D)])

    return _cgather


def _ffn_body(be_ref, ba_ref, x_ref, w1_ref, b1_ref, w2_ref, b2_ref, y_ref):
    g = pl.program_id(0)

    @pl.when(ba_ref[g, 0] == 1)
    def _():
        h = jnp.dot(x_ref[...].astype(jnp.bfloat16),
                    w1_ref[0].astype(jnp.bfloat16),
                    preferred_element_type=jnp.float32) + b1_ref[0, 0, :]
        y = jnp.dot(jax.nn.gelu(h).astype(jnp.bfloat16),
                    w2_ref[0].astype(jnp.bfloat16),
                    preferred_element_type=jnp.float32)
        y_ref[...] = y + b2_ref[0, 0, :]


def _ffn(x_sorted, W1, b1, W2, b2, block_e, block_a):
    grid_spec = pltpu.PrefetchScalarGridSpec(
        num_scalar_prefetch=2,
        grid=(NB,),
        in_specs=[
            pl.BlockSpec((B, D), lambda g, be, ba: (g, 0)),
            pl.BlockSpec((1, D, F), lambda g, be, ba: (be[g, 0], 0, 0)),
            pl.BlockSpec((1, 1, F), lambda g, be, ba: (be[g, 0], 0, 0)),
            pl.BlockSpec((1, F, D), lambda g, be, ba: (be[g, 0], 0, 0)),
            pl.BlockSpec((1, 1, D), lambda g, be, ba: (be[g, 0], 0, 0)),
        ],
        out_specs=pl.BlockSpec((B, D), lambda g, be, ba: (g, 0)),
    )
    return pl.pallas_call(
        _ffn_body,
        grid_spec=grid_spec,
        out_shape=jax.ShapeDtypeStruct((PTOT, D), jnp.float32),
        compiler_params=pltpu.CompilerParams(
            dimension_semantics=("arbitrary",),
            vmem_limit_bytes=100 * 1024 * 1024),
    )(block_e, block_a, x_sorted, W1, b1.reshape(E, 1, F), W2,
      b2.reshape(E, 1, D))


_BT = 512


def _pair_add_body(g_ref, s_ref, o_ref):
    o_ref[...] = (g_ref[:, :D] * s_ref[:, 0:1] +
                  g_ref[:, D:] * s_ref[:, 1:2])


def _pair_add(g, gate_score):
    return pl.pallas_call(
        _pair_add_body,
        grid=(N // _BT,),
        in_specs=[pl.BlockSpec((_BT, 2 * D), lambda i: (i, 0)),
                  pl.BlockSpec((_BT, K), lambda i: (i, 0))],
        out_specs=pl.BlockSpec((_BT, D), lambda i: (i, 0)),
        out_shape=jax.ShapeDtypeStruct((N, D), jnp.float32),
    )(g, gate_score)


def kernel(inp, w_gate, b_gate, W1, b1, W2, b2):
    gate_score, pe, po, block_e, block_a = _gate(inp, w_gate, b_gate)
    pe = pe.reshape(N)
    po = po.reshape(N)
    x_sorted = _make_dispatch()(inp, pe, po)
    y_sorted = _ffn(x_sorted, W1, b1, W2, b2, block_e, block_a)
    g = _make_combine_gather()(y_sorted, pe, po)
    return _pair_add(g, gate_score)

# --- scband reference (transcript-rebuilt; emitter-appended) ---
"""Pipeline reference for scband-fmo-e-49804440764686 (READ-ONLY COPY).

The authoritative reference and input builder live on the scoring server;
editing this copy changes nothing except your own understanding.
"""

import jax, jax.numpy as jnp
import numpy as np

NUM_EXPERT = 8
TOP_K = 2
D_MODEL = 768
D_FF = 3072
N_TOK = 2048


def setup_inputs(seed: int = 0) -> dict:
    key = jax.random.key(seed)
    ks = jax.random.split(key, 6)
    inp = jax.random.normal(ks[0], (N_TOK, D_MODEL), dtype=jnp.float32)
    # NaiveGate: linear d_model -> tot_expert (world_size=1 -> tot_expert = NUM_EXPERT)
    w_gate = jax.random.normal(ks[1], (D_MODEL, NUM_EXPERT), dtype=jnp.float32) * 0.02
    b_gate = jnp.zeros((NUM_EXPERT,), dtype=jnp.float32)
    # Each expert is a 2-layer GELU FFN (standard fastmoe expert), stacked over experts
    W1 = jax.random.normal(ks[2], (NUM_EXPERT, D_MODEL, D_FF), dtype=jnp.float32) * 0.02
    b1 = jnp.zeros((NUM_EXPERT, D_FF), dtype=jnp.float32)
    W2 = jax.random.normal(ks[3], (NUM_EXPERT, D_FF, D_MODEL), dtype=jnp.float32) * 0.02
    b2 = jnp.zeros((NUM_EXPERT, D_MODEL), dtype=jnp.float32)
    return {"inp": inp, "w_gate": w_gate, "b_gate": b_gate, "W1": W1, "b1": b1, "W2": W2, "b2": b2}


def reference(inp, w_gate, b_gate, W1, b1, W2, b2):
    # ---- NaiveGate ----
    logits = inp @ w_gate + b_gate                       # [N, E]
    top_val, top_idx = jax.lax.top_k(logits, TOP_K)      # [N, K] each
    gate_score = jax.nn.softmax(top_val, axis=-1)        # [N, K]
    # ---- repeat_interleave tokens by top_k (matches inp.repeat_interleave(top_k, 0)) ----
    rep = jnp.repeat(inp, TOP_K, axis=0)                 # [N*K, D]
    flat_idx = top_idx.reshape(-1)                       # [N*K]
    # ---- expert_fn: each slot is processed by exactly one expert.
    # Masked dense dispatch is mathematically identical to the scatter->expert->gather
    # pipeline in _fmoe_general_global_forward (each slot routed to one expert).
    out = jnp.zeros_like(rep)
    for i in range(NUM_EXPERT):
        h = jax.nn.gelu(rep @ W1[i] + b1[i])
        y = h @ W2[i] + b2[i]
        out = out + jnp.where((flat_idx == i)[:, None], y, 0.0)
    # ---- combine: x.view(-1, top_k, d); bmm(gate_score[N,1,K], x[N,K,D]) -> [N, D] ----
    x = out.reshape(-1, TOP_K, D_MODEL)
    x = jnp.einsum('nk,nkd->nd', gate_score, x)
    return x

if __name__ == "__main__":
    import jax
    _d = setup_inputs()
    print(jax.jit(kernel)(*tuple(_d.values())))

</pallas_src>

<mosaic_0001>
#map = affine_map<(d0, d1) -> (0, 0)>
#map1 = affine_map<(d0, d1) -> (0)>
module attributes {stable_mosaic.version = 14 : i64} {
  func.func @_cgather(%arg0: i32, %arg1: i32, %arg2: memref<6144x768xf32, #tpu.memory_space<hbm>>, %arg3: memref<2048xi32, #tpu.memory_space<hbm>>, %arg4: memref<2048xi32, #tpu.memory_space<hbm>>, %arg5: memref<2048x1536xf32, #tpu.memory_space<hbm>>, %arg6: memref<64xi32, #tpu.memory_space<vmem>>, %arg7: memref<64xi32, #tpu.memory_space<vmem>>, %arg8: memref<64x768xf32, #tpu.memory_space<vmem>>, %arg9: memref<64x768xf32, #tpu.memory_space<vmem>>, %arg10: memref<!tpu.dma_semaphore, #tpu.memory_space<semaphore_mem>>) attributes {dimension_semantics = [#tpu.dimension_semantics<core_parallel>, #tpu.dimension_semantics<subcore_parallel>], iteration_bounds = array<i64: 2, 16>, scalar_prefetch = 0 : i64, scratch_operands = 5 : i64, tpu.core_type = #tpu.core_type<sc_vector_subcore>, window_params = [{transform_indices = #map}, {transform_indices = #map1}, {transform_indices = #map1}, {transform_indices = #map}]} {
    %mul3A = arith.constant 2 : i32
    %mul3A_0 = arith.muli %arg1, %mul3A : i32
    %add3A = arith.addi %mul3A_0, %arg0 : i32
    %mul3A_1 = arith.constant 64 : i32
    %mul3A_2 = arith.muli %add3A, %mul3A_1 : i32
    "tpu.region"() ({
      %run_scoped3A = tpu.sem_alloc : memref<!tpu.dma_semaphore, #tpu.memory_space<semaphore_mem>>
      %dma_start3A_13 = tpu.memref_slice %arg3[%mul3A_2] : memref<2048xi32, #tpu.memory_space<hbm>> -> memref<64xi32, #tpu.memory_space<hbm>>
      %dma_start3A_14 = tpu.memref_slice %arg3[%mul3A_2] : memref<2048xi32, #tpu.memory_space<hbm>> -> memref<64xi32, #tpu.memory_space<hbm>>
      tpu.enqueue_dma source(%dma_start3A_14 : memref<64xi32, #tpu.memory_space<hbm>>) target(%arg6 : memref<64xi32, #tpu.memory_space<vmem>>) target_semaphore(%run_scoped3A : memref<!tpu.dma_semaphore, #tpu.memory_space<semaphore_mem>>)
      %dma_wait3A_15 = tpu.memref_slice %arg3[%mul3A_2] : memref<2048xi32, #tpu.memory_space<hbm>> -> memref<64xi32, #tpu.memory_space<hbm>>
      %dma_wait3A_16 = tpu.memref_slice %arg3[%mul3A_2] : memref<2048xi32, #tpu.memory_space<hbm>> -> memref<64xi32, #tpu.memory_space<hbm>>
      tpu.wait_dma2 semaphore(%run_scoped3A : memref<!tpu.dma_semaphore, #tpu.memory_space<semaphore_mem>>) src(%dma_wait3A_16 : memref<64xi32, #tpu.memory_space<hbm>>) dst(%arg6 : memref<64xi32, #tpu.memory_space<vmem>>)
      tpu.yield
    }) : () -> ()
    "tpu.region"() ({
      %run_scoped3A = tpu.sem_alloc : memref<!tpu.dma_semaphore, #tpu.memory_space<semaphore_mem>>
      %dma_start3A_13 = tpu.memref_slice %arg4[%mul3A_2] : memref<2048xi32, #tpu.memory_space<hbm>> -> memref<64xi32, #tpu.memory_space<hbm>>
      %dma_start3A_14 = tpu.memref_slice %arg4[%mul3A_2] : memref<2048xi32, #tpu.memory_space<hbm>> -> memref<64xi32, #tpu.memory_space<hbm>>
      tpu.enqueue_dma source(%dma_start3A_14 : memref<64xi32, #tpu.memory_space<hbm>>) target(%arg7 : memref<64xi32, #tpu.memory_space<vmem>>) target_semaphore(%run_scoped3A : memref<!tpu.dma_semaphore, #tpu.memory_space<semaphore_mem>>)
      %dma_wait3A_15 = tpu.memref_slice %arg4[%mul3A_2] : memref<2048xi32, #tpu.memory_space<hbm>> -> memref<64xi32, #tpu.memory_space<hbm>>
      %dma_wait3A_16 = tpu.memref_slice %arg4[%mul3A_2] : memref<2048xi32, #tpu.memory_space<hbm>> -> memref<64xi32, #tpu.memory_space<hbm>>
      tpu.wait_dma2 semaphore(%run_scoped3A : memref<!tpu.dma_semaphore, #tpu.memory_space<semaphore_mem>>) src(%dma_wait3A_16 : memref<64xi32, #tpu.memory_space<hbm>>) dst(%arg7 : memref<64xi32, #tpu.memory_space<vmem>>)
      tpu.yield
    }) : () -> ()
    %dma_start3A = arith.constant 0 : i32
    %dma_start3A_3 = arith.constant 0 : i32
    %dma_start3A_4 = tpu.memref_slice %arg2[%dma_start3A, %dma_start3A_3] : memref<6144x768xf32, #tpu.memory_space<hbm>> -> memref<6144x768xf32, #tpu.memory_space<hbm>>
    tpu.enqueue_indirect_dma source(%dma_start3A_4 : memref<6144x768xf32, #tpu.memory_space<hbm>>) target(%arg8 : memref<64x768xf32, #tpu.memory_space<vmem>>) offsets(%arg6 : memref<64xi32, #tpu.memory_space<vmem>>) semaphore(%arg10 : memref<!tpu.dma_semaphore, #tpu.memory_space<semaphore_mem>>)
    %dma_start3A_5 = arith.constant 0 : i32
    %dma_start3A_6 = arith.constant 0 : i32
    %dma_start3A_7 = tpu.memref_slice %arg2[%dma_start3A_5, %dma_start3A_6] : memref<6144x768xf32, #tpu.memory_space<hbm>> -> memref<6144x768xf32, #tpu.memory_space<hbm>>
    tpu.enqueue_indirect_dma source(%dma_start3A_7 : memref<6144x768xf32, #tpu.memory_space<hbm>>) target(%arg9 : memref<64x768xf32, #tpu.memory_space<vmem>>) offsets(%arg7 : memref<64xi32, #tpu.memory_space<vmem>>) semaphore(%arg10 : memref<!tpu.dma_semaphore, #tpu.memory_space<semaphore_mem>>)
    %dma_wait3A = arith.constant 0 : i32
    %dma_wait3A_8 = arith.constant 0 : i32
    %dma_wait3A_9 = tpu.memref_slice %arg2[%dma_wait3A, %dma_wait3A_8] : memref<6144x768xf32, #tpu.memory_space<hbm>> -> memref<6144x768xf32, #tpu.memory_space<hbm>>
    tpu.wait_indirect_dma semaphore(%arg10 : memref<!tpu.dma_semaphore, #tpu.memory_space<semaphore_mem>>) src(%dma_wait3A_9 : memref<6144x768xf32, #tpu.memory_space<hbm>>) dst(%arg8 : memref<64x768xf32, #tpu.memory_space<vmem>>)
    %dma_wait3A_10 = arith.constant 0 : i32
    %dma_wait3A_11 = arith.constant 0 : i32
    %dma_wait3A_12 = tpu.memref_slice %arg2[%dma_wait3A_10, %dma_wait3A_11] : memref<6144x768xf32, #tpu.memory_space<hbm>> -> memref<6144x768xf32, #tpu.memory_space<hbm>>
    tpu.wait_indirect_dma semaphore(%arg10 : memref<!tpu.dma_semaphore, #tpu.memory_space<semaphore_mem>>) src(%dma_wait3A_12 : memref<6144x768xf32, #tpu.memory_space<hbm>>) dst(%arg9 : memref<64x768xf32, #tpu.memory_space<vmem>>)
    "tpu.region"() ({
      %run_scoped3A = tpu.sem_alloc : memref<!tpu.dma_semaphore, #tpu.memory_space<semaphore_mem>>
      %dma_start3A_13 = arith.constant 0 : i32
      %dma_start3A_14 = tpu.memref_slice %arg5[%mul3A_2, %dma_start3A_13] : memref<2048x1536xf32, #tpu.memory_space<hbm>> -> memref<64x768xf32, #tpu.memory_space<hbm>>
      %dma_start3A_15 = arith.constant 0 : i32
      %dma_start3A_16 = tpu.memref_slice %arg5[%mul3A_2, %dma_start3A_15] : memref<2048x1536xf32, #tpu.memory_space<hbm>> -> memref<64x768xf32, #tpu.memory_space<hbm>>
      tpu.enqueue_dma source(%arg8 : memref<64x768xf32, #tpu.memory_space<vmem>>) target(%dma_start3A_16 : memref<64x768xf32, #tpu.memory_space<hbm>>) target_semaphore(%run_scoped3A : memref<!tpu.dma_semaphore, #tpu.memory_space<semaphore_mem>>)
      %dma_wait3A_17 = arith.constant 0 : i32
      %dma_wait3A_18 = tpu.memref_slice %arg5[%mul3A_2, %dma_wait3A_17] : memref<2048x1536xf32, #tpu.memory_space<hbm>> -> memref<64x768xf32, #tpu.memory_space<hbm>>
      %dma_wait3A_19 = arith.constant 0 : i32
      %dma_wait3A_20 = tpu.memref_slice %arg5[%mul3A_2, %dma_wait3A_19] : memref<2048x1536xf32, #tpu.memory_space<hbm>> -> memref<64x768xf32, #tpu.memory_space<hbm>>
      tpu.wait_dma2 semaphore(%run_scoped3A : memref<!tpu.dma_semaphore, #tpu.memory_space<semaphore_mem>>) src(%arg8 : memref<64x768xf32, #tpu.memory_space<vmem>>) dst(%dma_wait3A_20 : memref<64x768xf32, #tpu.memory_space<hbm>>)
      tpu.yield
    }) : () -> ()
    "tpu.region"() ({
      %run_scoped3A = tpu.sem_alloc : memref<!tpu.dma_semaphore, #tpu.memory_space<semaphore_mem>>
      %dma_start3A_13 = arith.constant 768 : i32
      %dma_start3A_14 = tpu.memref_slice %arg5[%mul3A_2, %dma_start3A_13] : memref<2048x1536xf32, #tpu.memory_space<hbm>> -> memref<64x768xf32, #tpu.memory_space<hbm>>
      %dma_start3A_15 = arith.constant 768 : i32
      %dma_start3A_16 = tpu.memref_slice %arg5[%mul3A_2, %dma_start3A_15] : memref<2048x1536xf32, #tpu.memory_space<hbm>> -> memref<64x768xf32, #tpu.memory_space<hbm>>
      tpu.enqueue_dma source(%arg9 : memref<64x768xf32, #tpu.memory_space<vmem>>) target(%dma_start3A_16 : memref<64x768xf32, #tpu.memory_space<hbm>>) target_semaphore(%run_scoped3A : memref<!tpu.dma_semaphore, #tpu.memory_space<semaphore_mem>>)
      %dma_wait3A_17 = arith.constant 768 : i32
      %dma_wait3A_18 = tpu.memref_slice %arg5[%mul3A_2, %dma_wait3A_17] : memref<2048x1536xf32, #tpu.memory_space<hbm>> -> memref<64x768xf32, #tpu.memory_space<hbm>>
      %dma_wait3A_19 = arith.constant 768 : i32
      %dma_wait3A_20 = tpu.memref_slice %arg5[%mul3A_2, %dma_wait3A_19] : memref<2048x1536xf32, #tpu.memory_space<hbm>> -> memref<64x768xf32, #tpu.memory_space<hbm>>
      tpu.wait_dma2 semaphore(%run_scoped3A : memref<!tpu.dma_semaphore, #tpu.memory_space<semaphore_mem>>) src(%arg9 : memref<64x768xf32, #tpu.memory_space<vmem>>) dst(%dma_wait3A_20 : memref<64x768xf32, #tpu.memory_space<hbm>>)
      tpu.yield
    }) : () -> ()
    return
  }
}

#map = affine_map<(d0, d1) -> (0, 0)>
#map1 = affine_map<(d0, d1) -> (0)>
module attributes {stable_mosaic.version = 14 : i64} {
  func.func @_dispatch(%arg0: i32, %arg1: i32, %arg2: memref<2048x768xf32, #tpu.memory_space<hbm>>, %arg3: memref<2048xi32, #tpu.memory_space<hbm>>, %arg4: memref<2048xi32, #tpu.memory_space<hbm>>, %arg5: memref<6144x768xf32, #tpu.memory_space<hbm>>, %arg6: memref<64xi32, #tpu.memory_space<vmem>>, %arg7: memref<64xi32, #tpu.memory_space<vmem>>, %arg8: memref<64x768xf32, #tpu.memory_space<vmem>>, %arg9: memref<!tpu.dma_semaphore, #tpu.memory_space<semaphore_mem>>) attributes {dimension_semantics = [#tpu.dimension_semantics<core_parallel>, #tpu.dimension_semantics<subcore_parallel>], iteration_bounds = array<i64: 2, 16>, scalar_prefetch = 0 : i64, scratch_operands = 4 : i64, tpu.core_type = #tpu.core_type<sc_vector_subcore>, window_params = [{transform_indices = #map}, {transform_indices = #map1}, {transform_indices = #map1}, {transform_indices = #map}]} {
    %mul3A = arith.constant 2 : i32
    %mul3A_0 = arith.muli %arg1, %mul3A : i32
    %add3A = arith.addi %mul3A_0, %arg0 : i32
    %mul3A_1 = arith.constant 64 : i32
    %mul3A_2 = arith.muli %add3A, %mul3A_1 : i32
    "tpu.region"() ({
      %run_scoped3A = tpu.sem_alloc : memref<!tpu.dma_semaphore, #tpu.memory_space<semaphore_mem>>
      %dma_start3A_13 = arith.constant 0 : i32
      %dma_start3A_14 = tpu.memref_slice %arg2[%mul3A_2, %dma_start3A_13] : memref<2048x768xf32, #tpu.memory_space<hbm>> -> memref<64x768xf32, #tpu.memory_space<hbm>>
      %dma_start3A_15 = arith.constant 0 : i32
      %dma_start3A_16 = tpu.memref_slice %arg2[%mul3A_2, %dma_start3A_15] : memref<2048x768xf32, #tpu.memory_space<hbm>> -> memref<64x768xf32, #tpu.memory_space<hbm>>
      tpu.enqueue_dma source(%dma_start3A_16 : memref<64x768xf32, #tpu.memory_space<hbm>>) target(%arg8 : memref<64x768xf32, #tpu.memory_space<vmem>>) target_semaphore(%run_scoped3A : memref<!tpu.dma_semaphore, #tpu.memory_space<semaphore_mem>>)
      %dma_wait3A_17 = arith.constant 0 : i32
      %dma_wait3A_18 = tpu.memref_slice %arg2[%mul3A_2, %dma_wait3A_17] : memref<2048x768xf32, #tpu.memory_space<hbm>> -> memref<64x768xf32, #tpu.memory_space<hbm>>
      %dma_wait3A_19 = arith.constant 0 : i32
      %dma_wait3A_20 = tpu.memref_slice %arg2[%mul3A_2, %dma_wait3A_19] : memref<2048x768xf32, #tpu.memory_space<hbm>> -> memref<64x768xf32, #tpu.memory_space<hbm>>
      tpu.wait_dma2 semaphore(%run_scoped3A : memref<!tpu.dma_semaphore, #tpu.memory_space<semaphore_mem>>) src(%dma_wait3A_20 : memref<64x768xf32, #tpu.memory_space<hbm>>) dst(%arg8 : memref<64x768xf32, #tpu.memory_space<vmem>>)
      tpu.yield
    }) : () -> ()
    "tpu.region"() ({
      %run_scoped3A = tpu.sem_alloc : memref<!tpu.dma_semaphore, #tpu.memory_space<semaphore_mem>>
      %dma_start3A_13 = tpu.memref_slice %arg3[%mul3A_2] : memref<2048xi32, #tpu.memory_space<hbm>> -> memref<64xi32, #tpu.memory_space<hbm>>
      %dma_start3A_14 = tpu.memref_slice %arg3[%mul3A_2] : memref<2048xi32, #tpu.memory_space<hbm>> -> memref<64xi32, #tpu.memory_space<hbm>>
      tpu.enqueue_dma source(%dma_start3A_14 : memref<64xi32, #tpu.memory_space<hbm>>) target(%arg6 : memref<64xi32, #tpu.memory_space<vmem>>) target_semaphore(%run_scoped3A : memref<!tpu.dma_semaphore, #tpu.memory_space<semaphore_mem>>)
      %dma_wait3A_15 = tpu.memref_slice %arg3[%mul3A_2] : memref<2048xi32, #tpu.memory_space<hbm>> -> memref<64xi32, #tpu.memory_space<hbm>>
      %dma_wait3A_16 = tpu.memref_slice %arg3[%mul3A_2] : memref<2048xi32, #tpu.memory_space<hbm>> -> memref<64xi32, #tpu.memory_space<hbm>>
      tpu.wait_dma2 semaphore(%run_scoped3A : memref<!tpu.dma_semaphore, #tpu.memory_space<semaphore_mem>>) src(%dma_wait3A_16 : memref<64xi32, #tpu.memory_space<hbm>>) dst(%arg6 : memref<64xi32, #tpu.memory_space<vmem>>)
      tpu.yield
    }) : () -> ()
    "tpu.region"() ({
      %run_scoped3A = tpu.sem_alloc : memref<!tpu.dma_semaphore, #tpu.memory_space<semaphore_mem>>
      %dma_start3A_13 = tpu.memref_slice %arg4[%mul3A_2] : memref<2048xi32, #tpu.memory_space<hbm>> -> memref<64xi32, #tpu.memory_space<hbm>>
      %dma_start3A_14 = tpu.memref_slice %arg4[%mul3A_2] : memref<2048xi32, #tpu.memory_space<hbm>> -> memref<64xi32, #tpu.memory_space<hbm>>
      tpu.enqueue_dma source(%dma_start3A_14 : memref<64xi32, #tpu.memory_space<hbm>>) target(%arg7 : memref<64xi32, #tpu.memory_space<vmem>>) target_semaphore(%run_scoped3A : memref<!tpu.dma_semaphore, #tpu.memory_space<semaphore_mem>>)
      %dma_wait3A_15 = tpu.memref_slice %arg4[%mul3A_2] : memref<2048xi32, #tpu.memory_space<hbm>> -> memref<64xi32, #tpu.memory_space<hbm>>
      %dma_wait3A_16 = tpu.memref_slice %arg4[%mul3A_2] : memref<2048xi32, #tpu.memory_space<hbm>> -> memref<64xi32, #tpu.memory_space<hbm>>
      tpu.wait_dma2 semaphore(%run_scoped3A : memref<!tpu.dma_semaphore, #tpu.memory_space<semaphore_mem>>) src(%dma_wait3A_16 : memref<64xi32, #tpu.memory_space<hbm>>) dst(%arg7 : memref<64xi32, #tpu.memory_space<vmem>>)
      tpu.yield
    }) : () -> ()
    %dma_start3A = arith.constant 0 : i32
    %dma_start3A_3 = arith.constant 0 : i32
    %dma_start3A_4 = tpu.memref_slice %arg5[%dma_start3A, %dma_start3A_3] : memref<6144x768xf32, #tpu.memory_space<hbm>> -> memref<6144x768xf32, #tpu.memory_space<hbm>>
    tpu.enqueue_indirect_dma source(%arg8 : memref<64x768xf32, #tpu.memory_space<vmem>>) target(%dma_start3A_4 : memref<6144x768xf32, #tpu.memory_space<hbm>>) offsets(%arg6 : memref<64xi32, #tpu.memory_space<vmem>>) semaphore(%arg9 : memref<!tpu.dma_semaphore, #tpu.memory_space<semaphore_mem>>)
    %dma_start3A_5 = arith.constant 0 : i32
    %dma_start3A_6 = arith.constant 0 : i32
    %dma_start3A_7 = tpu.memref_slice %arg5[%dma_start3A_5, %dma_start3A_6] : memref<6144x768xf32, #tpu.memory_space<hbm>> -> memref<6144x768xf32, #tpu.memory_space<hbm>>
    tpu.enqueue_indirect_dma source(%arg8 : memref<64x768xf32, #tpu.memory_space<vmem>>) target(%dma_start3A_7 : memref<6144x768xf32, #tpu.memory_space<hbm>>) offsets(%arg7 : memref<64xi32, #tpu.memory_space<vmem>>) semaphore(%arg9 : memref<!tpu.dma_semaphore, #tpu.memory_space<semaphore_mem>>)
    %dma_wait3A = arith.constant 0 : i32
    %dma_wait3A_8 = arith.constant 0 : i32
    %dma_wait3A_9 = tpu.memref_slice %arg5[%dma_wait3A, %dma_wait3A_8] : memref<6144x768xf32, #tpu.memory_space<hbm>> -> memref<6144x768xf32, #tpu.memory_space<hbm>>
    tpu.wait_indirect_dma semaphore(%arg9 : memref<!tpu.dma_semaphore, #tpu.memory_space<semaphore_mem>>) src(%arg8 : memref<64x768xf32, #tpu.memory_space<vmem>>) dst(%dma_wait3A_9 : memref<6144x768xf32, #tpu.memory_space<hbm>>)
    %dma_wait3A_10 = arith.constant 0 : i32
    %dma_wait3A_11 = arith.constant 0 : i32
    %dma_wait3A_12 = tpu.memref_slice %arg5[%dma_wait3A_10, %dma_wait3A_11] : memref<6144x768xf32, #tpu.memory_space<hbm>> -> memref<6144x768xf32, #tpu.memory_space<hbm>>
    tpu.wait_indirect_dma semaphore(%arg9 : memref<!tpu.dma_semaphore, #tpu.memory_space<semaphore_mem>>) src(%arg8 : memref<64x768xf32, #tpu.memory_space<vmem>>) dst(%dma_wait3A_12 : memref<6144x768xf32, #tpu.memory_space<hbm>>)
    return
  }
}

module attributes {stable_mosaic.version = 14 : i64} {
  func.func @_gate_body(%arg0: memref<2048x768xf32, #tpu.memory_space<vmem>>, %arg1: memref<768x8xf32, #tpu.memory_space<vmem>>, %arg2: memref<1x8xf32, #tpu.memory_space<vmem>>, %arg3: memref<2048x2xf32, #tpu.memory_space<vmem>>, %arg4: memref<2048x1xi32, #tpu.memory_space<vmem>>, %arg5: memref<2048x1xi32, #tpu.memory_space<vmem>>, %arg6: memref<24x1xi32, #tpu.memory_space<vmem>>, %arg7: memref<24x1xi32, #tpu.memory_space<vmem>>) attributes {dimension_semantics = [], scalar_prefetch = 0 : i64, scratch_operands = 0 : i64, tpu.core_type = #tpu.core_type<tc>} {
    %get3A = arith.constant 0 : index
    %get3A_0 = arith.constant 0 : index
    %get3A_1 = vector.load %arg0[%get3A, %get3A_0] : memref<2048x768xf32, #tpu.memory_space<vmem>>, vector<2048x768xf32>
    %get3A_2 = arith.constant 0 : index
    %get3A_3 = arith.constant 0 : index
    %get3A_4 = vector.load %arg1[%get3A_2, %get3A_3] : memref<768x8xf32, #tpu.memory_space<vmem>>, vector<768x8xf32>
    %dot_general3A = arith.constant dense<0.000000e+00> : vector<2048x8xf32>
    %dot_general3A_5 = tpu.matmul %get3A_1, %get3A_4, %dot_general3A {dimension_numbers = #tpu.dot_dimension_numbers<[1], [0], [0], [1], [0, 0, 1, 1], [], []>, transpose_lhs_hint = false} : vector<2048x768xf32>, vector<768x8xf32>, vector<2048x8xf32> -> vector<2048x8xf32>
    %get3A_6 = arith.constant 0 : index
    %get3A_7 = arith.constant 0 : index
    %get3A_8 = vector.load %arg2[%get3A_6, %get3A_7] : memref<1x8xf32, #tpu.memory_space<vmem>>, vector<1x8xf32>
    %add3A = vector.broadcast %get3A_8 : vector<1x8xf32> to vector<2048x8xf32>
    %add3A_9 = arith.addf %dot_general3A_5, %add3A : vector<2048x8xf32>
    %iota3A = tpu.iota {dimensions = array<i32: 1>} : vector<2048x8xi32>
    %reduce_max3A = arith.constant dense<0xFF800000> : vector<2048xf32>
    %reduce_max3A_10 = vector.multi_reduction <maximumf>, %add3A_9, %reduce_max3A [1] : vector<2048x8xf32> to vector<2048xf32>
    %broadcast_in_dim3A = vector.shape_cast %reduce_max3A_10 : vector<2048xf32> to vector<2048x1xf32>
    %eq3A = vector.broadcast %broadcast_in_dim3A : vector<2048x1xf32> to vector<2048x8xf32>
    %eq3A_11 = arith.cmpf oeq, %add3A_9, %eq3A : vector<2048x8xf32>
    %jit3A = arith.constant 8 : i32
    %broadcast_in_dim3A_12 = vector.broadcast %jit3A : i32 to vector<2048x8xi32>
    %select_n3A = arith.select %eq3A_11, %iota3A, %broadcast_in_dim3A_12 : vector<2048x8xi1>, vector<2048x8xi32>
    %reduce_min3A = arith.constant dense<2147483647> : vector<2048xi32>
    %reduce_min3A_13 = vector.multi_reduction <minsi>, %select_n3A, %reduce_min3A [1] : vector<2048x8xi32> to vector<2048xi32>
    %broadcast_in_dim3A_14 = vector.shape_cast %reduce_min3A_13 : vector<2048xi32> to vector<2048x1xi32>
    %eq3A_15 = vector.broadcast %broadcast_in_dim3A_14 : vector<2048x1xi32> to vector<2048x8xi32>
    %eq3A_16 = arith.cmpi eq, %iota3A, %eq3A_15 : vector<2048x8xi32>
    %jit3A_17 = arith.constant 0xFF800000 : f32
    %broadcast_in_dim3A_18 = vector.broadcast %jit3A_17 : f32 to vector<2048x8xf32>
    %select_n3A_19 = arith.select %eq3A_16, %broadcast_in_dim3A_18, %add3A_9 : vector<2048x8xi1>, vector<2048x8xf32>
    %reduce_max3A_20 = arith.constant dense<0xFF800000> : vector<2048xf32>
    %reduce_max3A_21 = vector.multi_reduction <maximumf>, %select_n3A_19, %reduce_max3A_20 [1] : vector<2048x8xf32> to vector<2048xf32>
    %broadcast_in_dim3A_22 = vector.shape_cast %reduce_max3A_21 : vector<2048xf32> to vector<2048x1xf32>
    %eq3A_23 = vector.broadcast %broadcast_in_dim3A_22 : vector<2048x1xf32> to vector<2048x8xf32>
    %eq3A_24 = arith.cmpf oeq, %select_n3A_19, %eq3A_23 : vector<2048x8xf32>
    %jit3A_25 = arith.constant 8 : i32
    %broadcast_in_dim3A_26 = vector.broadcast %jit3A_25 : i32 to vector<2048x8xi32>
    %select_n3A_27 = arith.select %eq3A_24, %iota3A, %broadcast_in_dim3A_26 : vector<2048x8xi1>, vector<2048x8xi32>
    %reduce_min3A_28 = arith.constant dense<2147483647> : vector<2048xi32>
    %reduce_min3A_29 = vector.multi_reduction <minsi>, %select_n3A_27, %reduce_min3A_28 [1] : vector<2048x8xi32> to vector<2048xi32>
    %broadcast_in_dim3A_30 = vector.shape_cast %reduce_min3A_29 : vector<2048xi32> to vector<2048x1xi32>
    %sub3A = arith.subf %broadcast_in_dim3A_22, %broadcast_in_dim3A : vector<2048x1xf32>
    %exp3A = math.exp %sub3A : vector<2048x1xf32>
    %add3A_31 = arith.constant 1.000000e+00 : f32
    %add3A_32 = vector.broadcast %add3A_31 : f32 to vector<2048x1xf32>
    %add3A_33 = arith.addf %add3A_32, %exp3A : vector<2048x1xf32>
    %div3A = arith.constant 1.000000e+00 : f32
    %div3A_34 = vector.broadcast %div3A : f32 to vector<2048x1xf32>
    %div3A_35 = arith.divf %div3A_34, %add3A_33 : vector<2048x1xf32>
    %sub3A_36 = arith.constant 1.000000e+00 : f32
    %sub3A_37 = vector.broadcast %sub3A_36 : f32 to vector<2048x1xf32>
    %sub3A_38 = arith.subf %sub3A_37, %div3A_35 : vector<2048x1xf32>
    %concatenate3A = tpu.concatenate %div3A_35, %sub3A_38 in 1 : vector<2048x1xf32>, vector<2048x1xf32> -> vector<2048x2xf32>
    %swap3A = arith.constant 0 : index
    %swap3A_39 = arith.constant 0 : index
    %swap3A_40 = vector.load %arg3[%swap3A, %swap3A_39] : memref<2048x2xf32, #tpu.memory_space<vmem>>, vector<2048x2xf32>
    tpu.vector_store %arg3[%swap3A, %swap3A_39], %concatenate3A {strides = array<i32>} : memref<2048x2xf32, #tpu.memory_space<vmem>>, vector<2048x2xf32>,
    %eq3A_41 = vector.broadcast %broadcast_in_dim3A_14 : vector<2048x1xi32> to vector<2048x8xi32>
    %eq3A_42 = arith.cmpi eq, %iota3A, %eq3A_41 : vector<2048x8xi32>
    %convert_element_type3A = arith.extui %eq3A_42 : vector<2048x8xi1> to vector<2048x8xi32>
    %eq3A_43 = vector.broadcast %broadcast_in_dim3A_30 : vector<2048x1xi32> to vector<2048x8xi32>
    %eq3A_44 = arith.cmpi eq, %iota3A, %eq3A_43 : vector<2048x8xi32>
    %convert_element_type3A_45 = arith.extui %eq3A_44 : vector<2048x8xi1> to vector<2048x8xi32>
    %add3A_46 = arith.addi %convert_element_type3A, %convert_element_type3A_45 : vector<2048x8xi32>
    %reduce_sum3A = arith.constant dense<0> : vector<8xi32>
    %reduce_sum3A_47 = vector.multi_reduction <add>, %add3A_46, %reduce_sum3A [0] : vector<2048x8xi32> to vector<8xi32>
    %broadcast_in_dim3A_48 = vector.shape_cast %reduce_sum3A_47 : vector<8xi32> to vector<1x8xi32>
    %broadcast_in_dim3A_49 = arith.constant 0 : i32
    %broadcast_in_dim3A_50 = vector.broadcast %broadcast_in_dim3A_49 : i32 to vector<1x8xi32>
    %slice3A = vector.extract_strided_slice %add3A_46 {offsets = [0, 0], sizes = [2047, 8], strides = [1, 1]} : vector<2048x8xi32> to vector<2047x8xi32>
    %concatenate3A_51 = tpu.concatenate %broadcast_in_dim3A_50, %slice3A in 0 : vector<1x8xi32>, vector<2047x8xi32> -> vector<2048x8xi32>
    %add3A_52 = arith.addi %add3A_46, %concatenate3A_51 : vector<2048x8xi32>
    %broadcast_in_dim3A_53 = arith.constant 0 : i32
    %broadcast_in_dim3A_54 = vector.broadcast %broadcast_in_dim3A_53 : i32 to vector<2x8xi32>
    %slice3A_55 = vector.extract_strided_slice %add3A_52 {offsets = [0, 0], sizes = [2046, 8], strides = [1, 1]} : vector<2048x8xi32> to vector<2046x8xi32>
    %concatenate3A_56 = tpu.concatenate %broadcast_in_dim3A_54, %slice3A_55 in 0 : vector<2x8xi32>, vector<2046x8xi32> -> vector<2048x8xi32>
    %add3A_57 = arith.addi %add3A_52, %concatenate3A_56 : vector<2048x8xi32>
    %broadcast_in_dim3A_58 = arith.constant 0 : i32
    %broadcast_in_dim3A_59 = vector.broadcast %broadcast_in_dim3A_58 : i32 to vector<4x8xi32>
    %slice3A_60 = vector.extract_strided_slice %add3A_57 {offsets = [0, 0], sizes = [2044, 8], strides = [1, 1]} : vector<2048x8xi32> to vector<2044x8xi32>
    %concatenate3A_61 = tpu.concatenate %broadcast_in_dim3A_59, %slice3A_60 in 0 : vector<4x8xi32>, vector<2044x8xi32> -> vector<2048x8xi32>
    %add3A_62 = arith.addi %add3A_57, %concatenate3A_61 : vector<2048x8xi32>
    %broadcast_in_dim3A_63 = arith.constant 0 : i32
    %broadcast_in_dim3A_64 = vector.broadcast %broadcast_in_dim3A_63 : i32 to vector<8x8xi32>
    %slice3A_65 = vector.extract_strided_slice %add3A_62 {offsets = [0, 0], sizes = [2040, 8], strides = [1, 1]} : vector<2048x8xi32> to vector<2040x8xi32>
    %concatenate3A_66 = tpu.concatenate %broadcast_in_dim3A_64, %slice3A_65 in 0 : vector<8x8xi32>, vector<2040x8xi32> -> vector<2048x8xi32>
    %add3A_67 = arith.addi %add3A_62, %concatenate3A_66 : vector<2048x8xi32>
    %broadcast_in_dim3A_68 = arith.constant 0 : i32
    %broadcast_in_dim3A_69 = vector.broadcast %broadcast_in_dim3A_68 : i32 to vector<16x8xi32>
    %slice3A_70 = vector.extract_strided_slice %add3A_67 {offsets = [0, 0], sizes = [2032, 8], strides = [1, 1]} : vector<2048x8xi32> to vector<2032x8xi32>
    %concatenate3A_71 = tpu.concatenate %broadcast_in_dim3A_69, %slice3A_70 in 0 : vector<16x8xi32>, vector<2032x8xi32> -> vector<2048x8xi32>
    %add3A_72 = arith.addi %add3A_67, %concatenate3A_71 : vector<2048x8xi32>
    %broadcast_in_dim3A_73 = arith.constant 0 : i32
    %broadcast_in_dim3A_74 = vector.broadcast %broadcast_in_dim3A_73 : i32 to vector<32x8xi32>
    %slice3A_75 = vector.extract_strided_slice %add3A_72 {offsets = [0, 0], sizes = [2016, 8], strides = [1, 1]} : vector<2048x8xi32> to vector<2016x8xi32>
    %concatenate3A_76 = tpu.concatenate %broadcast_in_dim3A_74, %slice3A_75 in 0 : vector<32x8xi32>, vector<2016x8xi32> -> vector<2048x8xi32>
    %add3A_77 = arith.addi %add3A_72, %concatenate3A_76 : vector<2048x8xi32>
    %broadcast_in_dim3A_78 = arith.constant 0 : i32
    %broadcast_in_dim3A_79 = vector.broadcast %broadcast_in_dim3A_78 : i32 to vector<64x8xi32>
    %slice3A_80 = vector.extract_strided_slice %add3A_77 {offsets = [0, 0], sizes = [1984, 8], strides = [1, 1]} : vector<2048x8xi32> to vector<1984x8xi32>
    %concatenate3A_81 = tpu.concatenate %broadcast_in_dim3A_79, %slice3A_80 in 0 : vector<64x8xi32>, vector<1984x8xi32> -> vector<2048x8xi32>
    %add3A_82 = arith.addi %add3A_77, %concatenate3A_81 : vector<2048x8xi32>
    %broadcast_in_dim3A_83 = arith.constant 0 : i32
    %broadcast_in_dim3A_84 = vector.broadcast %broadcast_in_dim3A_83 : i32 to vector<128x8xi32>
    %slice3A_85 = vector.extract_strided_slice %add3A_82 {offsets = [0, 0], sizes = [1920, 8], strides = [1, 1]} : vector<2048x8xi32> to vector<1920x8xi32>
    %concatenate3A_86 = tpu.concatenate %broadcast_in_dim3A_84, %slice3A_85 in 0 : vector<128x8xi32>, vector<1920x8xi32> -> vector<2048x8xi32>
    %add3A_87 = arith.addi %add3A_82, %concatenate3A_86 : vector<2048x8xi32>
    %broadcast_in_dim3A_88 = arith.constant 0 : i32
    %broadcast_in_dim3A_89 = vector.broadcast %broadcast_in_dim3A_88 : i32 to vector<256x8xi32>
    %slice3A_90 = vector.extract_strided_slice %add3A_87 {offsets = [0, 0], sizes = [1792, 8], strides = [1, 1]} : vector<2048x8xi32> to vector<1792x8xi32>
    %concatenate3A_91 = tpu.concatenate %broadcast_in_dim3A_89, %slice3A_90 in 0 : vector<256x8xi32>, vector<1792x8xi32> -> vector<2048x8xi32>
    %add3A_92 = arith.addi %add3A_87, %concatenate3A_91 : vector<2048x8xi32>
    %broadcast_in_dim3A_93 = arith.constant 0 : i32
    %broadcast_in_dim3A_94 = vector.broadcast %broadcast_in_dim3A_93 : i32 to vector<512x8xi32>
    %slice3A_95 = vector.extract_strided_slice %add3A_92 {offsets = [0, 0], sizes = [1536, 8], strides = [1, 1]} : vector<2048x8xi32> to vector<1536x8xi32>
    %concatenate3A_96 = tpu.concatenate %broadcast_in_dim3A_94, %slice3A_95 in 0 : vector<512x8xi32>, vector<1536x8xi32> -> vector<2048x8xi32>
    %add3A_97 = arith.addi %add3A_92, %concatenate3A_96 : vector<2048x8xi32>
    %broadcast_in_dim3A_98 = arith.constant 0 : i32
    %broadcast_in_dim3A_99 = vector.broadcast %broadcast_in_dim3A_98 : i32 to vector<1024x8xi32>
    %slice3A_100 = vector.extract_strided_slice %add3A_97 {offsets = [0, 0], sizes = [1024, 8], strides = [1, 1]} : vector<2048x8xi32> to vector<1024x8xi32>
    %concatenate3A_101 = tpu.concatenate %broadcast_in_dim3A_99, %slice3A_100 in 0 : vector<1024x8xi32>, vector<1024x8xi32> -> vector<2048x8xi32>
    %add3A_102 = arith.addi %add3A_97, %concatenate3A_101 : vector<2048x8xi32>
    %sub3A_103 = arith.subi %add3A_102, %add3A_46 : vector<2048x8xi32>
    %add3A_104 = arith.constant 256 : i32
    %add3A_105 = vector.broadcast %add3A_104 : i32 to vector<1x8xi32>
    %add3A_106 = arith.addi %broadcast_in_dim3A_48, %add3A_105 : vector<1x8xi32>
    %sub3A_107 = arith.constant 1 : i32
    %sub3A_108 = vector.broadcast %sub3A_107 : i32 to vector<1x8xi32>
    %sub3A_109 = arith.subi %add3A_106, %sub3A_108 : vector<1x8xi32>
    %jit3A_110 = arith.constant 256 : i32
    %div3A_111 = vector.broadcast %jit3A_110 : i32 to vector<1x8xi32>
    %div3A_112 = arith.divsi %sub3A_109, %div3A_111 : vector<1x8xi32>
    %sign3A = arith.constant 0 : i32
    %sign3A_113 = vector.broadcast %sign3A : i32 to vector<1x8xi32>
    %sign3A_114 = arith.cmpi sgt, %sub3A_109, %sign3A_113 : vector<1x8xi32>
    %sign3A_115 = arith.extui %sign3A_114 : vector<1x8xi1> to vector<1x8xi32>
    %sign3A_116 = arith.constant 0 : i32
    %sign3A_117 = vector.broadcast %sign3A_116 : i32 to vector<1x8xi32>
    %sign3A_118 = arith.cmpi slt, %sub3A_109, %sign3A_117 : vector<1x8xi32>
    %sign3A_119 = arith.extui %sign3A_118 : vector<1x8xi1> to vector<1x8xi32>
    %sign3A_120 = arith.subi %sign3A_115, %sign3A_119 : vector<1x8xi32>
    %sign3A_121 = arith.constant 0 : i32
    %sign3A_122 = arith.cmpi sgt, %jit3A_110, %sign3A_121 : i32
    %sign3A_123 = arith.extui %sign3A_122 : i1 to i32
    %sign3A_124 = arith.constant 0 : i32
    %sign3A_125 = arith.cmpi slt, %jit3A_110, %sign3A_124 : i32
    %sign3A_126 = arith.extui %sign3A_125 : i1 to i32
    %sign3A_127 = arith.subi %sign3A_123, %sign3A_126 : i32
    %ne3A = vector.broadcast %sign3A_127 : i32 to vector<1x8xi32>
    %ne3A_128 = arith.cmpi ne, %sign3A_120, %ne3A : vector<1x8xi32>
    %rem3A = vector.broadcast %jit3A_110 : i32 to vector<1x8xi32>
    %rem3A_129 = arith.remsi %sub3A_109, %rem3A : vector<1x8xi32>
    %ne3A_130 = arith.constant 0 : i32
    %ne3A_131 = vector.broadcast %ne3A_130 : i32 to vector<1x8xi32>
    %ne3A_132 = arith.cmpi ne, %rem3A_129, %ne3A_131 : vector<1x8xi32>
    %and3A = arith.andi %ne3A_128, %ne3A_132 : vector<1x8xi1>
    %sub3A_133 = arith.constant 1 : i32
    %sub3A_134 = vector.broadcast %sub3A_133 : i32 to vector<1x8xi32>
    %sub3A_135 = arith.subi %div3A_112, %sub3A_134 : vector<1x8xi32>
    %select_n3A_136 = arith.select %and3A, %sub3A_135, %div3A_112 : vector<1x8xi1>, vector<1x8xi32>
    %broadcast_in_dim3A_137 = arith.constant 0 : i32
    %broadcast_in_dim3A_138 = vector.broadcast %broadcast_in_dim3A_137 : i32 to vector<1x1xi32>
    %slice3A_139 = vector.extract_strided_slice %select_n3A_136 {offsets = [0, 0], sizes = [1, 7], strides = [1, 1]} : vector<1x8xi32> to vector<1x7xi32>
    %concatenate3A_140 = tpu.concatenate %broadcast_in_dim3A_138, %slice3A_139 in 1 : vector<1x1xi32>, vector<1x7xi32> -> vector<1x8xi32>
    %add3A_141 = arith.addi %select_n3A_136, %concatenate3A_140 : vector<1x8xi32>
    %broadcast_in_dim3A_142 = arith.constant 0 : i32
    %broadcast_in_dim3A_143 = vector.broadcast %broadcast_in_dim3A_142 : i32 to vector<1x2xi32>
    %slice3A_144 = vector.extract_strided_slice %add3A_141 {offsets = [0, 0], sizes = [1, 6], strides = [1, 1]} : vector<1x8xi32> to vector<1x6xi32>
    %concatenate3A_145 = tpu.concatenate %broadcast_in_dim3A_143, %slice3A_144 in 1 : vector<1x2xi32>, vector<1x6xi32> -> vector<1x8xi32>
    %add3A_146 = arith.addi %add3A_141, %concatenate3A_145 : vector<1x8xi32>
    %broadcast_in_dim3A_147 = arith.constant 0 : i32
    %broadcast_in_dim3A_148 = vector.broadcast %broadcast_in_dim3A_147 : i32 to vector<1x4xi32>
    %slice3A_149 = vector.extract_strided_slice %add3A_146 {offsets = [0, 0], sizes = [1, 4], strides = [1, 1]} : vector<1x8xi32> to vector<1x4xi32>
    %concatenate3A_150 = tpu.concatenate %broadcast_in_dim3A_148, %slice3A_149 in 1 : vector<1x4xi32>, vector<1x4xi32> -> vector<1x8xi32>
    %add3A_151 = arith.addi %add3A_146, %concatenate3A_150 : vector<1x8xi32>
    %broadcast_in_dim3A_152 = arith.constant 0 : i32
    %broadcast_in_dim3A_153 = vector.broadcast %broadcast_in_dim3A_152 : i32 to vector<1x1xi32>
    %slice3A_154 = vector.extract_strided_slice %add3A_151 {offsets = [0, 0], sizes = [1, 7], strides = [1, 1]} : vector<1x8xi32> to vector<1x7xi32>
    %concatenate3A_155 = tpu.concatenate %broadcast_in_dim3A_153, %slice3A_154 in 1 : vector<1x1xi32>, vector<1x7xi32> -> vector<1x8xi32>
    %mul3A = arith.constant 256 : i32
    %mul3A_156 = vector.broadcast %mul3A : i32 to vector<1x8xi32>
    %mul3A_157 = arith.muli %concatenate3A_155, %mul3A_156 : vector<1x8xi32>
    %eq3A_158 = vector.broadcast %broadcast_in_dim3A_14 : vector<2048x1xi32> to vector<2048x8xi32>
    %eq3A_159 = arith.cmpi eq, %iota3A, %eq3A_158 : vector<2048x8xi32>
    %jit3A_160 = arith.constant 0 : i32
    %broadcast_in_dim3A_161 = vector.broadcast %jit3A_160 : i32 to vector<2048x8xi32>
    %select_n3A_162 = arith.select %eq3A_159, %sub3A_103, %broadcast_in_dim3A_161 : vector<2048x8xi1>, vector<2048x8xi32>
    %reduce_sum3A_163 = arith.constant dense<0> : vector<2048xi32>
    %reduce_sum3A_164 = vector.multi_reduction <add>, %select_n3A_162, %reduce_sum3A_163 [1] : vector<2048x8xi32> to vector<2048xi32>
    %broadcast_in_dim3A_165 = vector.shape_cast %reduce_sum3A_164 : vector<2048xi32> to vector<2048x1xi32>
    %eq3A_166 = vector.broadcast %broadcast_in_dim3A_30 : vector<2048x1xi32> to vector<2048x8xi32>
    %eq3A_167 = arith.cmpi eq, %iota3A, %eq3A_166 : vector<2048x8xi32>
    %jit3A_168 = arith.constant 0 : i32
    %broadcast_in_dim3A_169 = vector.broadcast %jit3A_168 : i32 to vector<2048x8xi32>
    %select_n3A_170 = arith.select %eq3A_167, %sub3A_103, %broadcast_in_dim3A_169 : vector<2048x8xi1>, vector<2048x8xi32>
    %reduce_sum3A_171 = arith.constant dense<0> : vector<2048xi32>
    %reduce_sum3A_172 = vector.multi_reduction <add>, %select_n3A_170, %reduce_sum3A_171 [1] : vector<2048x8xi32> to vector<2048xi32>
    %broadcast_in_dim3A_173 = vector.shape_cast %reduce_sum3A_172 : vector<2048xi32> to vector<2048x1xi32>
    %eq3A_174 = vector.broadcast %broadcast_in_dim3A_14 : vector<2048x1xi32> to vector<2048x8xi32>
    %eq3A_175 = arith.cmpi eq, %iota3A, %eq3A_174 : vector<2048x8xi32>
    %jit3A_176 = arith.constant 0 : i32
    %broadcast_in_dim3A_177 = vector.shape_cast %mul3A_157 : vector<1x8xi32> to vector<1x8xi32>
    %broadcast_in_dim3A_178 = vector.broadcast %broadcast_in_dim3A_177 : vector<1x8xi32> to vector<2048x8xi32>
    %broadcast_in_dim3A_179 = vector.broadcast %jit3A_176 : i32 to vector<2048x8xi32>
    %select_n3A_180 = arith.select %eq3A_175, %broadcast_in_dim3A_178, %broadcast_in_dim3A_179 : vector<2048x8xi1>, vector<2048x8xi32>
    %reduce_sum3A_181 = arith.constant dense<0> : vector<2048xi32>
    %reduce_sum3A_182 = vector.multi_reduction <add>, %select_n3A_180, %reduce_sum3A_181 [1] : vector<2048x8xi32> to vector<2048xi32>
    %broadcast_in_dim3A_183 = vector.shape_cast %reduce_sum3A_182 : vector<2048xi32> to vector<2048x1xi32>
    %eq3A_184 = vector.broadcast %broadcast_in_dim3A_30 : vector<2048x1xi32> to vector<2048x8xi32>
    %eq3A_185 = arith.cmpi eq, %iota3A, %eq3A_184 : vector<2048x8xi32>
    %jit3A_186 = arith.constant 0 : i32
    %broadcast_in_dim3A_187 = vector.shape_cast %mul3A_157 : vector<1x8xi32> to vector<1x8xi32>
    %broadcast_in_dim3A_188 = vector.broadcast %broadcast_in_dim3A_187 : vector<1x8xi32> to vector<2048x8xi32>
    %broadcast_in_dim3A_189 = vector.broadcast %jit3A_186 : i32 to vector<2048x8xi32>
    %select_n3A_190 = arith.select %eq3A_185, %broadcast_in_dim3A_188, %broadcast_in_dim3A_189 : vector<2048x8xi1>, vector<2048x8xi32>
    %reduce_sum3A_191 = arith.constant dense<0> : vector<2048xi32>
    %reduce_sum3A_192 = vector.multi_reduction <add>, %select_n3A_190, %reduce_sum3A_191 [1] : vector<2048x8xi32> to vector<2048xi32>
    %broadcast_in_dim3A_193 = vector.shape_cast %reduce_sum3A_192 : vector<2048xi32> to vector<2048x1xi32>
    %add3A_194 = arith.addi %broadcast_in_dim3A_183, %broadcast_in_dim3A_165 : vector<2048x1xi32>
    %swap3A_195 = arith.constant 0 : index
    %swap3A_196 = arith.constant 0 : index
    %swap3A_197 = vector.load %arg4[%swap3A_195, %swap3A_196] : memref<2048x1xi32, #tpu.memory_space<vmem>>, vector<2048x1xi32>
    tpu.vector_store %arg4[%swap3A_195, %swap3A_196], %add3A_194 {strides = array<i32>} : memref<2048x1xi32, #tpu.memory_space<vmem>>, vector<2048x1xi32>,
    %add3A_198 = arith.addi %broadcast_in_dim3A_193, %broadcast_in_dim3A_173 : vector<2048x1xi32>
    %swap3A_199 = arith.constant 0 : index
    %swap3A_200 = arith.constant 0 : index
    %swap3A_201 = vector.load %arg5[%swap3A_199, %swap3A_200] : memref<2048x1xi32, #tpu.memory_space<vmem>>, vector<2048x1xi32>
    tpu.vector_store %arg5[%swap3A_199, %swap3A_200], %add3A_198 {strides = array<i32>} : memref<2048x1xi32, #tpu.memory_space<vmem>>, vector<2048x1xi32>,
    %slice3A_202 = vector.extract_strided_slice %add3A_151 {offsets = [0, 7], sizes = [1, 1], strides = [1, 1]} : vector<1x8xi32> to vector<1x1xi32>
    %squeeze3A = vector.extract %slice3A_202[0, 0] : i32 from vector<1x1xi32>
    %iota3A_203 = tpu.iota {dimensions = array<i32: 0>} : vector<24x8xi32>
    %broadcast_in_dim3A_204 = vector.shape_cast %add3A_151 : vector<1x8xi32> to vector<1x8xi32>
    %broadcast_in_dim3A_205 = vector.broadcast %broadcast_in_dim3A_204 : vector<1x8xi32> to vector<24x8xi32>
    %ge3A = arith.cmpi sge, %iota3A_203, %broadcast_in_dim3A_205 : vector<24x8xi32>
    %convert_element_type3A_206 = arith.extui %ge3A : vector<24x8xi1> to vector<24x8xi32>
    %reduce_sum3A_207 = arith.constant dense<0> : vector<24xi32>
    %reduce_sum3A_208 = vector.multi_reduction <add>, %convert_element_type3A_206, %reduce_sum3A_207 [1] : vector<24x8xi32> to vector<24xi32>
    %broadcast_in_dim3A_209 = vector.shape_cast %reduce_sum3A_208 : vector<24xi32> to vector<24x1xi32>
    %iota3A_210 = tpu.iota {dimensions = array<i32: 1>} : vector<24x8xi32>
    %broadcast_in_dim3A_211 = vector.shape_cast %broadcast_in_dim3A_48 : vector<1x8xi32> to vector<1x8xi32>
    %broadcast_in_dim3A_212 = vector.broadcast %broadcast_in_dim3A_211 : vector<1x8xi32> to vector<24x8xi32>
    %gt3A = arith.constant 0 : i32
    %gt3A_213 = vector.broadcast %gt3A : i32 to vector<24x8xi32>
    %gt3A_214 = arith.cmpi sgt, %broadcast_in_dim3A_212, %gt3A_213 : vector<24x8xi32>
    %jit3A_215 = arith.constant 0 : i32
    %broadcast_in_dim3A_216 = vector.broadcast %jit3A_215 : i32 to vector<24x8xi32>
    %select_n3A_217 = arith.select %gt3A_214, %iota3A_210, %broadcast_in_dim3A_216 : vector<24x8xi1>, vector<24x8xi32>
    %reduce_max3A_218 = arith.constant dense<-2147483648> : vector<24xi32>
    %reduce_max3A_219 = vector.multi_reduction <maxsi>, %select_n3A_217, %reduce_max3A_218 [1] : vector<24x8xi32> to vector<24xi32>
    %broadcast_in_dim3A_220 = vector.shape_cast %reduce_max3A_219 : vector<24xi32> to vector<24x1xi32>
    %iota3A_221 = tpu.iota {dimensions = array<i32: 0>} : vector<24x1xi32>
    %lt3A = vector.broadcast %squeeze3A : i32 to vector<24x1xi32>
    %lt3A_222 = arith.cmpi slt, %iota3A_221, %lt3A : vector<24x1xi32>
    %min3A = arith.constant 7 : i32
    %min3A_223 = vector.broadcast %min3A : i32 to vector<24x1xi32>
    %min3A_224 = arith.minsi %broadcast_in_dim3A_209, %min3A_223 : vector<24x1xi32>
    %select_n3A_225 = arith.select %lt3A_222, %min3A_224, %broadcast_in_dim3A_220 : vector<24x1xi1>, vector<24x1xi32>
    %swap3A_226 = arith.constant 0 : index
    %swap3A_227 = arith.constant 0 : index
    %swap3A_228 = vector.load %arg6[%swap3A_226, %swap3A_227] : memref<24x1xi32, #tpu.memory_space<vmem>>, vector<24x1xi32>
    tpu.vector_store %arg6[%swap3A_226, %swap3A_227], %select_n3A_225 {strides = array<i32>} : memref<24x1xi32, #tpu.memory_space<vmem>>, vector<24x1xi32>,
    %lt3A_229 = vector.broadcast %squeeze3A : i32 to vector<24x1xi32>
    %lt3A_230 = arith.cmpi slt, %iota3A_221, %lt3A_229 : vector<24x1xi32>
    %convert_element_type3A_231 = arith.extui %lt3A_230 : vector<24x1xi1> to vector<24x1xi32>
    %swap3A_232 = arith.constant 0 : index
    %swap3A_233 = arith.constant 0 : index
    %swap3A_234 = vector.load %arg7[%swap3A_232, %swap3A_233] : memref<24x1xi32, #tpu.memory_space<vmem>>, vector<24x1xi32>
    tpu.vector_store %arg7[%swap3A_232, %swap3A_233], %convert_element_type3A_231 {strides = array<i32>} : memref<24x1xi32, #tpu.memory_space<vmem>>, vector<24x1xi32>,
    return
  }
}

module attributes {stable_mosaic.version = 14 : i64} {
  func.func @_ffn_body(%arg0: i32, %arg1: memref<24x1xi32, #tpu.memory_space<smem>>, %arg2: memref<24x1xi32, #tpu.memory_space<smem>>, %arg3: memref<256x768xf32, #tpu.memory_space<vmem>>, %arg4: memref<1x768x3072xf32, #tpu.memory_space<vmem>>, %arg5: memref<1x1x3072xf32, #tpu.memory_space<vmem>>, %arg6: memref<1x3072x768xf32, #tpu.memory_space<vmem>>, %arg7: memref<1x1x768xf32, #tpu.memory_space<vmem>>, %arg8: memref<256x768xf32, #tpu.memory_space<vmem>>) attributes {dimension_semantics = [#tpu.dimension_semantics<arbitrary>], iteration_bounds = array<i64: 24>, scalar_prefetch = 2 : i64, scratch_operands = 0 : i64, tpu.core_type = #tpu.core_type<tc>, window_params = [{transform_indices = @transform_0, window_bounds = array<i64: 256, 768>}, {transform_indices = @transform_1, window_bounds = array<i64: 1, 768, 3072>}, {transform_indices = @transform_2, window_bounds = array<i64: 1, 1, 3072>}, {transform_indices = @transform_3, window_bounds = array<i64: 1, 3072, 768>}, {transform_indices = @transform_4, window_bounds = array<i64: 1, 1, 768>}, {transform_indices = @transform_5, window_bounds = array<i64: 256, 768>}]} {
    %get3A = arith.index_cast %arg0 : i32 to index
    %get3A_0 = arith.constant 0 : index
    %get3A_1 = memref.load %arg2[%get3A, %get3A_0] : memref<24x1xi32, #tpu.memory_space<smem>>
    %eq3A = arith.constant 1 : i32
    %eq3A_2 = arith.cmpi eq, %get3A_1, %eq3A : i32
    %convert_element_type3A = arith.extui %eq3A_2 : i1 to i32
    %cond3A = arith.constant 0 : i32
    %cond3A_3 = arith.cmpi ne, %convert_element_type3A, %cond3A : i32
    scf.if %cond3A_3 {
      %get3A_4 = arith.constant 0 : index
      %get3A_5 = arith.constant 0 : index
      %get3A_6 = vector.load %arg3[%get3A_4, %get3A_5] : memref<256x768xf32, #tpu.memory_space<vmem>>, vector<256x768xf32>
      %convert_element_type3A_7 = arith.truncf %get3A_6 : vector<256x768xf32> to vector<256x768xbf16>
      %get3A_8 = arith.constant 0 : index
      %get3A_9 = arith.constant 0 : index
      %get3A_10 = arith.constant 0 : index
      %get3A_11 = vector.load %arg4[%get3A_8, %get3A_9, %get3A_10] : memref<1x768x3072xf32, #tpu.memory_space<vmem>>, vector<1x768x3072xf32>
      %get3A_12 = vector.shape_cast %get3A_11 : vector<1x768x3072xf32> to vector<768x3072xf32>
      %convert_element_type3A_13 = arith.truncf %get3A_12 : vector<768x3072xf32> to vector<768x3072xbf16>
      %dot_general3A = arith.constant dense<0.000000e+00> : vector<256x3072xf32>
      %dot_general3A_14 = tpu.matmul %convert_element_type3A_7, %convert_element_type3A_13, %dot_general3A {dimension_numbers = #tpu.dot_dimension_numbers<[1], [0], [0], [1], [0, 0, 1, 1], [], []>, transpose_lhs_hint = false} : vector<256x768xbf16>, vector<768x3072xbf16>, vector<256x3072xf32> -> vector<256x3072xf32>
      %get3A_15 = arith.constant 0 : index
      %get3A_16 = arith.constant 0 : index
      %get3A_17 = arith.constant 0 : index
      %get3A_18 = vector.load %arg5[%get3A_15, %get3A_16, %get3A_17] : memref<1x1x3072xf32, #tpu.memory_space<vmem>>, vector<1x1x3072xf32>
      %get3A_19 = vector.shape_cast %get3A_18 : vector<1x1x3072xf32> to vector<3072xf32>
      %broadcast_in_dim3A = vector.shape_cast %get3A_19 : vector<3072xf32> to vector<1x3072xf32>
      %add3A = vector.broadcast %broadcast_in_dim3A : vector<1x3072xf32> to vector<256x3072xf32>
      %add3A_20 = arith.addf %dot_general3A_14, %add3A : vector<256x3072xf32>
      %integer_pow3A = arith.mulf %add3A_20, %add3A_20 : vector<256x3072xf32>
      %integer_pow3A_21 = arith.mulf %add3A_20, %integer_pow3A : vector<256x3072xf32>
      %mul3A = arith.constant 4.471500e-02 : f32
      %mul3A_22 = vector.broadcast %mul3A : f32 to vector<256x3072xf32>
      %mul3A_23 = arith.mulf %mul3A_22, %integer_pow3A_21 : vector<256x3072xf32>
      %add3A_24 = arith.addf %add3A_20, %mul3A_23 : vector<256x3072xf32>
      %mul3A_25 = arith.constant 0.797884583 : f32
      %mul3A_26 = vector.broadcast %mul3A_25 : f32 to vector<256x3072xf32>
      %mul3A_27 = arith.mulf %mul3A_26, %add3A_24 : vector<256x3072xf32>
      %tanh3A = math.tanh %mul3A_27 : vector<256x3072xf32>
      %add3A_28 = arith.constant 1.000000e+00 : f32
      %add3A_29 = vector.broadcast %add3A_28 : f32 to vector<256x3072xf32>
      %add3A_30 = arith.addf %add3A_29, %tanh3A : vector<256x3072xf32>
      %mul3A_31 = arith.constant 5.000000e-01 : f32
      %mul3A_32 = vector.broadcast %mul3A_31 : f32 to vector<256x3072xf32>
      %mul3A_33 = arith.mulf %mul3A_32, %add3A_30 : vector<256x3072xf32>
      %mul3A_34 = arith.mulf %add3A_20, %mul3A_33 : vector<256x3072xf32>
      %convert_element_type3A_35 = arith.truncf %mul3A_34 : vector<256x3072xf32> to vector<256x3072xbf16>
      %get3A_36 = arith.constant 0 : index
      %get3A_37 = arith.constant 0 : index
      %get3A_38 = arith.constant 0 : index
      %get3A_39 = vector.load %arg6[%get3A_36, %get3A_37, %get3A_38] : memref<1x3072x768xf32, #tpu.memory_space<vmem>>, vector<1x3072x768xf32>
      %get3A_40 = vector.shape_cast %get3A_39 : vector<1x3072x768xf32> to vector<3072x768xf32>
      %convert_element_type3A_41 = arith.truncf %get3A_40 : vector<3072x768xf32> to vector<3072x768xbf16>
      %dot_general3A_42 = arith.constant dense<0.000000e+00> : vector<256x768xf32>
      %dot_general3A_43 = tpu.matmul %convert_element_type3A_35, %convert_element_type3A_41, %dot_general3A_42 {dimension_numbers = #tpu.dot_dimension_numbers<[1], [0], [0], [1], [0, 0, 1, 1], [], []>, transpose_lhs_hint = false} : vector<256x3072xbf16>, vector<3072x768xbf16>, vector<256x768xf32> -> vector<256x768xf32>
      %get3A_44 = arith.constant 0 : index
      %get3A_45 = arith.constant 0 : index
      %get3A_46 = arith.constant 0 : index
      %get3A_47 = vector.load %arg7[%get3A_44, %get3A_45, %get3A_46] : memref<1x1x768xf32, #tpu.memory_space<vmem>>, vector<1x1x768xf32>
      %get3A_48 = vector.shape_cast %get3A_47 : vector<1x1x768xf32> to vector<768xf32>
      %broadcast_in_dim3A_49 = vector.shape_cast %get3A_48 : vector<768xf32> to vector<1x768xf32>
      %add3A_50 = vector.broadcast %broadcast_in_dim3A_49 : vector<1x768xf32> to vector<256x768xf32>
      %add3A_51 = arith.addf %dot_general3A_43, %add3A_50 : vector<256x768xf32>
      %swap3A = arith.constant 0 : index
      %swap3A_52 = arith.constant 0 : index
      %swap3A_53 = vector.load %arg8[%swap3A, %swap3A_52] : memref<256x768xf32, #tpu.memory_space<vmem>>, vector<256x768xf32>
      tpu.vector_store %arg8[%swap3A, %swap3A_52], %add3A_51 {strides = array<i32>} : memref<256x768xf32, #tpu.memory_space<vmem>>, vector<256x768xf32>,
    } else {
    }
    return
  }
  func.func @transform_0(%arg0: i32, %arg1: memref<24x1xi32, #tpu.memory_space<smem>>, %arg2: memref<24x1xi32, #tpu.memory_space<smem>>) -> (i32, i32) {
    %c0_i32 = arith.constant 0 : i32
    %c0_i32_0 = arith.constant 0 : i32
    return %arg0, %c0_i32 : i32, i32
  }
  func.func @transform_1(%arg0: i32, %arg1: memref<24x1xi32, #tpu.memory_space<smem>>, %arg2: memref<24x1xi32, #tpu.memory_space<smem>>) -> (i32, i32, i32) {
    %get3A = arith.index_cast %arg0 : i32 to index
    %get3A_0 = arith.constant 0 : index
    %get3A_1 = memref.load %arg1[%get3A, %get3A_0] : memref<24x1xi32, #tpu.memory_space<smem>>
    %c0_i32 = arith.constant 0 : i32
    %c0_i32_2 = arith.constant 0 : i32
    %c0_i32_3 = arith.constant 0 : i32
    return %get3A_1, %c0_i32, %c0_i32_2 : i32, i32, i32
  }
  func.func @transform_2(%arg0: i32, %arg1: memref<24x1xi32, #tpu.memory_space<smem>>, %arg2: memref<24x1xi32, #tpu.memory_space<smem>>) -> (i32, i32, i32) {
    %get3A = arith.index_cast %arg0 : i32 to index
    %get3A_0 = arith.constant 0 : index
    %get3A_1 = memref.load %arg1[%get3A, %get3A_0] : memref<24x1xi32, #tpu.memory_space<smem>>
    %c0_i32 = arith.constant 0 : i32
    %c0_i32_2 = arith.constant 0 : i32
    %c0_i32_3 = arith.constant 0 : i32
    return %get3A_1, %c0_i32, %c0_i32_2 : i32, i32, i32
  }
  func.func @transform_3(%arg0: i32, %arg1: memref<24x1xi32, #tpu.memory_space<smem>>, %arg2: memref<24x1xi32, #tpu.memory_space<smem>>) -> (i32, i32, i32) {
    %get3A = arith.index_cast %arg0 : i32 to index
    %get3A_0 = arith.constant 0 : index
    %get3A_1 = memref.load %arg1[%get3A, %get3A_0] : memref<24x1xi32, #tpu.memory_space<smem>>
    %c0_i32 = arith.constant 0 : i32
    %c0_i32_2 = arith.constant 0 : i32
    %c0_i32_3 = arith.constant 0 : i32
    return %get3A_1, %c0_i32, %c0_i32_2 : i32, i32, i32
  }
  func.func @transform_4(%arg0: i32, %arg1: memref<24x1xi32, #tpu.memory_space<smem>>, %arg2: memref<24x1xi32, #tpu.memory_space<smem>>) -> (i32, i32, i32) {
    %get3A = arith.index_cast %arg0 : i32 to index
    %get3A_0 = arith.constant 0 : index
    %get3A_1 = memref.load %arg1[%get3A, %get3A_0] : memref<24x1xi32, #tpu.memory_space<smem>>
    %c0_i32 = arith.constant 0 : i32
    %c0_i32_2 = arith.constant 0 : i32
    %c0_i32_3 = arith.constant 0 : i32
    return %get3A_1, %c0_i32, %c0_i32_2 : i32, i32, i32
  }
  func.func @transform_5(%arg0: i32, %arg1: memref<24x1xi32, #tpu.memory_space<smem>>, %arg2: memref<24x1xi32, #tpu.memory_space<smem>>) -> (i32, i32) {
    %c0_i32 = arith.constant 0 : i32
    %c0_i32_0 = arith.constant 0 : i32
    return %arg0, %c0_i32 : i32, i32
  }
}

module attributes {stable_mosaic.version = 14 : i64} {
  func.func @_pair_add_body(%arg0: i32, %arg1: memref<512x1536xf32, #tpu.memory_space<vmem>>, %arg2: memref<512x2xf32, #tpu.memory_space<vmem>>, %arg3: memref<512x768xf32, #tpu.memory_space<vmem>>) attributes {dimension_semantics = [#tpu.dimension_semantics<arbitrary>], iteration_bounds = array<i64: 4>, scalar_prefetch = 0 : i64, scratch_operands = 0 : i64, tpu.core_type = #tpu.core_type<tc>, window_params = [{transform_indices = @transform_0, window_bounds = array<i64: 512, 1536>}, {transform_indices = @transform_1, window_bounds = array<i64: 512, 2>}, {transform_indices = @transform_2, window_bounds = array<i64: 512, 768>}]} {
    %get3A = arith.constant 0 : index
    %get3A_0 = arith.constant 0 : index
    %get3A_1 = vector.load %arg1[%get3A, %get3A_0] : memref<512x1536xf32, #tpu.memory_space<vmem>>, vector<512x768xf32>
    %get3A_2 = arith.constant 0 : index
    %get3A_3 = arith.constant 0 : index
    %get3A_4 = vector.load %arg2[%get3A_2, %get3A_3] : memref<512x2xf32, #tpu.memory_space<vmem>>, vector<512x1xf32>
    %mul3A = vector.broadcast %get3A_4 : vector<512x1xf32> to vector<512x768xf32>
    %mul3A_5 = arith.mulf %get3A_1, %mul3A : vector<512x768xf32>
    %get3A_6 = arith.constant 0 : index
    %get3A_7 = arith.constant 768 : index
    %get3A_8 = vector.load %arg1[%get3A_6, %get3A_7] : memref<512x1536xf32, #tpu.memory_space<vmem>>, vector<512x768xf32>
    %get3A_9 = arith.constant 0 : index
    %get3A_10 = arith.constant 1 : index
    %get3A_11 = vector.load %arg2[%get3A_9, %get3A_10] : memref<512x2xf32, #tpu.memory_space<vmem>>, vector<512x1xf32>
    %mul3A_12 = vector.broadcast %get3A_11 : vector<512x1xf32> to vector<512x768xf32>
    %mul3A_13 = arith.mulf %get3A_8, %mul3A_12 : vector<512x768xf32>
    %add3A = arith.addf %mul3A_5, %mul3A_13 : vector<512x768xf32>
    %swap3A = arith.constant 0 : index
    %swap3A_14 = arith.constant 0 : index
    %swap3A_15 = vector.load %arg3[%swap3A, %swap3A_14] : memref<512x768xf32, #tpu.memory_space<vmem>>, vector<512x768xf32>
    tpu.vector_store %arg3[%swap3A, %swap3A_14], %add3A {strides = array<i32>} : memref<512x768xf32, #tpu.memory_space<vmem>>, vector<512x768xf32>,
    return
  }
  func.func @transform_0(%arg0: i32) -> (i32, i32) {
    %c0_i32 = arith.constant 0 : i32
    %c0_i32_0 = arith.constant 0 : i32
    return %arg0, %c0_i32 : i32, i32
  }
  func.func @transform_1(%arg0: i32) -> (i32, i32) {
    %c0_i32 = arith.constant 0 : i32
    %c0_i32_0 = arith.constant 0 : i32
    return %arg0, %c0_i32 : i32, i32
  }
  func.func @transform_2(%arg0: i32) -> (i32, i32) {
    %c0_i32 = arith.constant 0 : i32
    %c0_i32_0 = arith.constant 0 : i32
    return %arg0, %c0_i32 : i32, i32
  }
}

</mosaic_0001>

<sc_bundles>
// kernel: kernel.10.cloned.1.call-start
scs
__scs_entry_jumppad:
0x0: {  	(pc) =	sbr.rel $0x88, $3  }
0x1: {  	(tag) =	ssettag $0x0;
	lr =	simm.s32 $0x1  }
0x2: {  	[smem:$0x3F9A] =	sst lr;
	_ =	strace $0xD0000000  }
0x3: {  	_ = 	snop  }
0x4: {  	_ = 	snop  }
0x5: {  	_ = 	snop  }
0x6: {  	_ = 	snop  }
0x7: {  	_ = 	snop  }
__scs_overlays_trampoline_lowered:
0x8: {  	[smem:$0x3FA9] =	sst s0  }
0x9: {  	[smem:$0x3FAA] =	sst s1  }
0xa: {  	[smem:$0x3FAB] =	sst s2  }
0xb: {  	[smem:$0x3FAC] =	sst s3  }
0xc: {  	[smem:$0x3FAD] =	sst s4  }
0xd: {  	[smem:$0x3FAE] =	sst s5  }
0xe: {  	[smem:$0x3FAF] =	sst s6  }
0xf: {  	[smem:$0x3FB0] =	sst s7  }
0x10: {  	[smem:$0x3FB1] =	sst s8  }
0x11: {  	[smem:$0x3FB2] =	sst s9;
	s0 =	simm.s32 @!p0 $0x0  }
0x12: {  	s1 =	sld [smem:$0x3F98];
	s0 =	simm.s32 @p0 $0x1  }
0x13: {  	[smem:$0x3FB3] =	sst s0;
	s0 =	simm.s32 @!p1 $0x0  }
0x14: {  	s2 =	sld [smem:$0x3F97];
	s0 =	simm.s32 @p1 $0x1  }
0x15: {  	[smem:$0x3FB4] =	sst s0;
	s0 =	simm.s32 @!p2 $0x0  }
0x16: {  	s3 =	sld [smem:$0x3FDB];
	s0 =	simm.s32 @p2 $0x1  }
0x17: {  	s4 =	simm.s32 $0x1BF5;
	[smem:$0x3FB6] =	sst s0  }
0x18: {  	s0 =	sld [smem:$0x3F99];
	_ =	swait.ge [sflag:s4], $0x0  }
0x19: {  	s7 =	sld [smem:$0x3F9A]  }
0x1a: {  	s8 =	sadd.s32 $0xFFFFE003, lr  }
0x1b: {  	s9 =	sadd.s32 $0xFFFFFEF7, lr;
	s5 =	simm.s32 $0xFFFFFFFF;
	p2 =	slt.u32 s8, $0xFFFFF086  }
0x1c: {  	p1 =	slt.u32 s9, $0xF7A;
	s5 =	simm.s32 @!p2 $0x0  }
0x1d: {  	s5 =	simm.s32 @p1 $0x1;
	p0 =	seq.s32 s7, s2  }
0x1e: {  	s7 =	smul.u32 @!p0 $0xF7A, s2;
	p2 =	seq.s32 @!p0 s5, $0x0  }
0x1f: {  	s9 =	smul.u32 $0xF7A, s1;
	s8 =	simm.s32 @!p0 $0x1BF5;
	p2 =	por !p2, p0  }
0x20: {  	[sflag:s8] =	ssyncset.s32 @!p0 $0xFFFFF086;
	s6 =	sadd.s32 @!p0 s3, s7;
	s7 =	simm.s32 @!p0 $0x108  }
0x21: {  	s3 =	sadd.s32 s3, s9;
	s6 =	sadd.s32 @!p0 $0x88, s6;
	s7 =	simm.s32 @p2 $0x1082  }
0x22: {  	[simem:s7], [sflag:s8] =	dma.local @!p0 [hbm:s6], $0xF7A  }
0x23: {  	s9 =	sor.u32 $0xD0000000, s2;
	s6 =	simm.s32 $0x108;
	_ =	swait.ge @!p0 [sflag:s8], $0x0  }
0x24: {  	s3 =	sadd.s32 $0x88, s3;
	s6 =	simm.s32 @!p1 $0x1082;
	[sflag:s4] =	ssyncset.s32 $0xFFFFF086  }
0x25: {  	[simem:s6], [sflag:s4] =	dma.local [hbm:s3], $0xF7A  }
0x26: {  	[smem:$0x3F9A] =	sst s1;
	(tag) =	ssettag s2;
	_ =	strace s9  }
0x27: {  	s1 =	sld [smem:$0x3FAA]  }
0x28: {  	s2 =	sld [smem:$0x3FAB]  }
0x29: {  	s4 =	sld [smem:$0x3FAD]  }
0x2a: {  	p0 =	seq.s32 s5, $0x0;
	s5 =	sld [smem:$0x3FAE]  }
0x2b: {  	s6 =	sld [smem:$0x3FAF]  }
0x2c: {  	s7 =	sld [smem:$0x3FB0]  }
0x2d: {  	s3 =	simm.s32 $0x108;
	s8 =	sld [smem:$0x3FB1]  }
0x2e: {  	s3 =	simm.s32 @!p0 $0x1082;
	s9 =	sld [smem:$0x3FB2]  }
0x2f: {  	lr =	sadd.s32 s0, s3;
	s0 =	sld [smem:$0x3FA9]  }
0x30: {  	s3 =	sld [smem:$0x3FAC]  }
0x31: {  	[smem:$0x3FB5] =	sst s10  }
0x32: {  	s10 =	sld [smem:$0x3FB3];
	_ =	sdelay $0x3  }
0x33: {  	p0 =	seq.s32 s10, $0x1;
	s10 =	sld [smem:$0x3FB5];
	_ =	sdelay $0x3  }
0x34: {  	[smem:$0x3FB5] =	sst s10  }
0x35: {  	s10 =	sld [smem:$0x3FB4];
	_ =	sdelay $0x3  }
0x36: {  	p1 =	seq.s32 s10, $0x1;
	s10 =	sld [smem:$0x3FB5];
	_ =	sdelay $0x3  }
0x37: {  	[smem:$0x3FB5] =	sst s10  }
0x38: {  	s10 =	sld [smem:$0x3FB6]  }
0x39: {  	_ = 	snop;
	(pc) =	sbr.ind lr, $3  }
0x3a: {  	_ = 	snop  }
0x3b: {  	_ = 	snop  }
0x3c: {  	p2 =	seq.s32 s10, $0x1;
	s10 =	sld [smem:$0x3FB5]  }
0x3d: {  	_ =	shalt  }
0x3e: {  	_ =	shalt  }
0x3f: {  	_ =	shalt  }
0x40: {  	_ =	shalt  }
0x41: {  	_ =	shalt  }
0x42: {  	_ =	shalt  }
0x43: {  	_ =	shalt  }
0x44: {  	_ =	shalt  }
0x45: {  	_ =	shalt  }
0x46: {  	_ =	shalt  }
0x47: {  	_ =	shalt  }
0x48: {  	_ =	shalt  }
0x49: {  	_ =	shalt  }
0x4a: {  	_ =	shalt  }
0x4b: {  	_ =	shalt  }
0x4c: {  	_ =	shalt  }
0x4d: {  	_ =	shalt  }
0x4e: {  	_ =	shalt  }
0x4f: {  	_ =	shalt  }
0x50: {  	_ =	shalt  }
0x51: {  	_ =	shalt  }
0x52: {  	_ =	shalt  }
0x53: {  	_ =	shalt  }
0x54: {  	_ =	shalt  }
0x55: {  	_ =	shalt  }
0x56: {  	_ =	shalt  }
0x57: {  	_ =	shalt  }
0x58: {  	_ =	shalt  }
0x59: {  	_ =	shalt  }
0x5a: {  	_ =	shalt  }
0x5b: {  	_ =	shalt  }
0x5c: {  	_ =	shalt  }
0x5d: {  	_ =	shalt  }
0x5e: {  	_ =	shalt  }
0x5f: {  	_ =	shalt  }
0x60: {  	_ =	shalt  }
0x61: {  	_ =	shalt  }
0x62: {  	_ =	shalt  }
0x63: {  	_ =	shalt  }
0x64: {  	_ =	shalt  }
0x65: {  	_ =	shalt  }
0x66: {  	_ =	shalt  }
0x67: {  	_ =	shalt  }
0x68: {  	_ =	shalt  }
0x69: {  	_ =	shalt  }
0x6a: {  	_ =	shalt  }
0x6b: {  	_ =	shalt  }
0x6c: {  	_ =	shalt  }
0x6d: {  	_ =	shalt  }
0x6e: {  	_ =	shalt  }
0x6f: {  	_ =	shalt  }
0x70: {  	_ =	shalt  }
0x71: {  	_ =	shalt  }
0x72: {  	_ =	shalt  }
0x73: {  	_ =	shalt  }
0x74: {  	_ =	shalt  }
0x75: {  	_ =	shalt  }
0x76: {  	_ =	shalt  }
0x77: {  	_ =	shalt  }
0x78: {  	_ =	shalt  }
0x79: {  	_ =	shalt  }
0x7a: {  	_ =	shalt  }
0x7b: {  	_ =	shalt  }
0x7c: {  	_ =	shalt  }
0x7d: {  	_ =	shalt  }
0x7e: {  	_ =	shalt  }
0x7f: {  	_ =	shalt  }
0x80: {  	_ =	shalt  }
0x81: {  	_ =	shalt  }
0x82: {  	_ =	shalt  }
0x83: {  	_ =	shalt  }
0x84: {  	_ =	shalt  }
0x85: {  	_ =	shalt  }
0x86: {  	_ =	shalt  }
0x87: {  	_ =	shalt  }
.Lfunc_end0:
.L_simem_size_0:
called_computation.1_lowered:
.L_overlay_start_0:
0x88: {  	s2 =	sld [smem:$0x3FD9]  }
0x89: {  	s3 =	sld [smem:$0x3FFE];
	_ =	sdelay $0x1  }
0x8a: {  	s1 =	srdreg.scid  }
0x8b: {  	s0 =	sand.u32 $0x1, s1  }
0x8c: {  	s16 =	sshll.u32 s0, $0xA;
	s2 =	sadd.s32 s3, s2  }
0x8d: {  	s2 =	sadd.s32 s2, s16  }
0x8e: {  	[smem:$0x3FC1] =	sst s2  }
0x8f: {  	_ = 	snop  }
0x90: {  	(tm) =	ssettm $0x1  }
0x91: {  	s17 =	sld [smem:$0x3FFB];
	_ =	sdelay $0x3  }
0x92: {  	_ =	strace s17  }
0x93: {  	s2 =	sld [smem:$0x3FFC];
	_ =	sdelay $0x3  }
0x94: {  	_ =	strace s2  }
0x95: {  	s2 =	sld [smem:$0x3FFD];
	_ =	sdelay $0x3  }
0x96: {  	_ =	strace s2  }
0x97: {  	_ =	strace $0x8FFFFFFF  }
0x98: {  	s18 =	sld [smem:$0x3FDB];
	_ =	sdelay $0x1  }
0x99: {  	s19 =	simm.s32 $_scs_section_size  }
0x9a: {  	s4 =	simm.s32 $_size__tile_overlayer_lowered;
	s5 =	simm.s32 $_tile_overlayer_lowered  }
0x9b: {  	s22 =	simm.s32 $0x1BFF;
	s21 =	sshll.u32 s5, $0x1;
	s2 =	sadd.s32 s19, s18  }
0x9c: {  	s6 =	simm.s32 $0x0;
	s20 =	sshll.u32 s4, $0x1;
	s4 =	sadd.s32 s21, s2  }
0x9d: {  	[timem:s6], [sflag:s22] =	dma.local [hbm:s4], s20  }
0x9e: {  	_ =	swait.ge [sflag:s22], s20  }
0x9f: {  	s3 =	ssub.s32 $0x0, s20;
	[sflag:s22] =	ssyncset.done $0x0  }
0xa0: {  	[sflag:s22] =	ssyncadd.s32 s3;
	_ =	sdelay $0x1  }
0xa1: {  	s23 =	simm.s32 $0x1B8B  }
0xa2: {  	_ =	swait.ge [sflag:s23], $0x1  }
0xa3: {  	[sflag:s23] =	ssyncset.done $0x0  }
0xa4: {  	s25 =	simm.s32 $0x1B8E;
	s24 =	sld [smem:$0x3FFE];
	[sflag:s23] =	ssyncadd.s32 $0xFFFFFFFF  }
0xa5: {  	s26 =	simm.s32 $execute0_lowered;
	[smem:$0x3FD2] =	sst s25  }
0xa6: {  	s4 =	sshll.u32 s26, $0x1;
	_ =	strace $0x80000049;
	[dreg:$0x1] =	wrdreg $0xFFFFFFFF  }
0xa7: {  	s28 =	simm.s32 $_size_execute0_lowered;
	s2 =	sadd.s32 s2, s4;
	[dreg:$0x0] =	wrdreg $0x0  }
0xa8: {  	s4 =	sshll.u32 s28, $0x1;
	[dreg:$0x2] =	wrdreg s2  }
0xa9: {  	[dreg:$0x3] =	wrdreg s4  }
0xaa: {  	[dreg:$0x4] =	wrdreg $0xC0  }
0xab: {  	_ =	task [dreg:s6], $0x5FFFF  }
0xac: {  	[dreg:$0x1] =	wrdreg $0xFFFFFFFF  }
0xad: {  	[dreg:$0x0] =	wrdreg $0x60  }
0xae: {  	[dreg:$0x2] =	wrdreg s24  }
0xaf: {  	[dreg:$0x3] =	wrdreg $0x9  }
0xb0: {  	_ =	task.clear_ibuf [dreg:s6], $0x4FFFF;
	_ =	strace $0x90000049  }
0xb1: {  	s29 =	simm.s32 $0x9;
	_ =	strace $0x8000004B  }
0xb2: {  	_ =	swait.ge [sflag:s29], $0x1  }
0xb3: {  	[sflag:s29] =	ssyncadd.s32 $0xFFFFFFFF  }
0xb4: {  	_ =	strace $0x9000004B  }
0xb5: {  	_ =	sfence  }
0xb6: {  	s30 =	sld [smem:$0x0];
	_ =	sdelay $0x2  }
0xb7: {  	s31 =	sshll.u32 s1, $0xD;
	s1 =	sshrl.u32 s1, $0x2  }
0xb8: {  	s3 =	sand.u32 $0x4000, s31;
	s1 =	sadd.s32 s1, s30  }
0xb9: {  	s0 =	sor.u32 s3, s0;
	s1 =	sshll.u32 s1, $0x11  }
0xba: {  	s0 =	sor.u32 s1, s0  }
0xbb: {  	s0 =	sadd.s32 $0x8F2B, s0  }
0xbc: {  	[sflag:s0] =	ssyncadd.remote.s32 $0x1  }
0xbd: {  	_ =	sfence.sel $0xFFFF  }
0xbe: {  	[dreg:$0x0] =	wrdreg $0xFFFFFFFF;
	(pc) =	sbr.abs _section_cstart, $3  }
0xbf: {  	[dreg:$0x1] =	wrdreg $0xFFFFFFFF  }
0xc0: {  	_ =	task.clear_ibuf [dreg:s6], $0x2FFFF;
	_ =	strace $0x9FFFFFFF  }
0xc1: {  	(tm) =	ssettm $0x7FFFFFFF  }
tec
execute0_lowered:
.L_overlay_start_1:
0x0: {  	(tag) =	ssettag $0x1  }
0x1: {  	s1 =	srdreg.scid  }
0x2: {  	s2 =	simm.s32 $0x0;
	s4 =	sand.u32 $0x1, s1;
	s1 =	rddreg [dreg:$0x0]  }
0x3: {  	s22 =	simm.s32 $0x80;
	[smem:$0x7FF] =	sst s2  }
0x4: {  	s23 =	simm.s32 $0x900;
	_ =	strace $0x8000004A;
	[dreg:$0x6] =	wrdreg s22  }
0x5: {  	s24 =	simm.s32 $0x1100;
	[dreg:$0x7] =	wrdreg s23  }
0x6: {  	s25 =	simm.s32 $0x1900;
	[dreg:$0x8] =	wrdreg s24  }
0x7: {  	s0 =	stileid.u32;
	s26 =	simm.s32 $0x2100;
	[dreg:$0x9] =	wrdreg s25  }
0x8: {  	s3 =	sshll.u32 s0, $0x4;
	s0 =	simm.s32 $0x2900;
	[dreg:$0xa] =	wrdreg s26  }
0x9: {  	s7 =	simm.s32 $0x4100;
	[dreg:$0xb] =	wrdreg s0  }
0xa: {  	s8 =	simm.s32 $0x4900;
	[dreg:$0xe] =	wrdreg s7  }
0xb: {  	s9 =	simm.s32 $0x5100;
	[dreg:$0xf] =	wrdreg s8  }
0xc: {  	s10 =	simm.s32 $0x5900;
	[dreg:$0x10] =	wrdreg s9  }
0xd: {  	s11 =	simm.s32 $0x6100;
	[dreg:$0x11] =	wrdreg s10  }
0xe: {  	s12 =	simm.s32 $0x6900;
	[dreg:$0x12] =	wrdreg s11  }
0xf: {  	s13 =	simm.s32 $0x7100;
	[dreg:$0x13] =	wrdreg s12  }
0x10: {  	s14 =	simm.s32 $0x7900;
	s15 =	simm.s32 $0x8100;
	[dreg:$0x14] =	wrdreg s13  }
0x11: {  	s16 =	simm.s32 $0x8900;
	s17 =	simm.s32 $0x9100;
	[dreg:$0x15] =	wrdreg s14  }
0x12: {  	s18 =	simm.s32 $0x9900;
	s19 =	simm.s32 $0xA100;
	[dreg:$0x16] =	wrdreg s15  }
0x13: {  	s28 =	simm.s32 $0x17100;
	s29 =	simm.s32 $0x17900;
	[dreg:$0x17] =	wrdreg s16  }
0x14: {  	s30 =	simm.s32 $0x1;
	s31 =	simm.s32 $0x1800;
	[dreg:$0x18] =	wrdreg s17  }
0x15: {  	s5 =	sshll.u32 s4, $0x3;
	s4 =	ssub.s32 $0x2, s4;
	[dreg:$0x19] =	wrdreg s18  }
0x16: {  	[dreg:$0x1a] =	wrdreg s19;
	s22 =	simm.s32 $0xB100;
	s7 =	simm.s32 $0xB900  }
0x17: {  	s23 =	simm.s32 $0xC900;
	s24 =	simm.s32 $0xD100;
	s25 =	simm.s32 $0xD900  }
0x18: {  	s8 =	simm.s32 $0x100;
	s26 =	simm.s32 $0xE100;
	s9 =	simm.s32 $0xC100  }
0x19: {  	s11 =	simm.s32 $0xF100;
	s12 =	simm.s32 $0xF900;
	[dreg:$0x1c] =	wrdreg s22  }
0x1a: {  	s13 =	simm.s32 $0x10100;
	s14 =	simm.s32 $0x10900;
	[dreg:$0x1d] =	wrdreg s7  }
0x1b: {  	s15 =	simm.s32 $0x11100;
	s16 =	simm.s32 $0x11900;
	[dreg:$0x1e] =	wrdreg s23  }
0x1c: {  	s17 =	simm.s32 $0x12100;
	s18 =	simm.s32 $0x12900;
	[dreg:$0x1f] =	wrdreg s24  }
0x1d: {  	s19 =	simm.s32 $0x13100;
	s3 =	sor.u32 s5, s3;
	[smem:$0x7FC] =	sst s25  }
0x1e: {  	s20 =	sshrl.u32 s4, $0x1;
	s7 =	simm.s32 $0x2;
	[smem:$0x7FD] =	sst s26  }
0x1f: {  	s22 =	simm.s32 $0x14900;
	s23 =	simm.s32 $0x15100;
	s5 =	sadd.s32 s3, s1  }
0x20: {  	s24 =	simm.s32 $0x15900;
	s25 =	simm.s32 $0x16100;
	s6 =	sadd.s32 $0x1600, s5  }
0x21: {  	s3 =	smul.u32 $0x600, s3;
	s5 =	sadd.s32 $0x1800, s5;
	[dreg:$0x2] =	wrdreg s6  }
0x22: {  	s26 =	simm.s32 $0x16900;
	[dreg:$0x3] =	wrdreg s5;
	s5 =	simm.s32 $0x3100  }
0x23: {  	s3 =	sadd.s32 s3, s1;
	s6 =	simm.s32 $0x3900;
	[dreg:$0xc] =	wrdreg s5  }
0x24: {  	s21 =	sadd.s32 $0x1A00, s3;
	s3 =	sadd.s32 $0x1D00, s3;
	[dreg:$0xd] =	wrdreg s6  }
0x25: {  	s6 =	ssub.s32 s4, s20;
	s4 =	sadd.s32 $0x92B00, s1;
	[dreg:$0x4] =	wrdreg s21  }
0x26: {  	v2 =	vlaneseq.u32;
	s5 =	sadd.s32 $0x92C00, s1;
	s20 =	simm.s32 $0x13900;
	[dreg:$0x5] =	wrdreg s3  }
0x27: {  	vm0 =	vmmov $0xffff;
	v1 =	vshrl.u32 v2, $0x3;
	s3 =	sadd.s32 $0x92A00, s1;
	s21 =	simm.s32 $0xA900;
	s6 =	smax.u32 s6, $0x1  }
0x28: {  	v0 =	vand.u32 $0x7, v2;
	v2 =	vor.u32 $0x8, v2;
	v1 =	vmul.u32 $0x8, v1;
	s1 =	simm.s32 $0x3000;
	[dreg:$0x1b] =	wrdreg s21;
	s21 =	simm.s32 $0x14100  }
.LBB2_1:
0x29: {  	s0 =	rddreg [dreg:$0x2]  }
0x2a: {  	[tilespmem:s2], [sflag:$0x2] =	stream.linear.gather [hbm4b:s0+s2], $0x40, $0x38;
	[tilespmem:$0x18100] =	vst v63  }
0x2b: {  	_ =	swait.ge [sflag:s7], $0x40  }
0x2c: {  	s0 =	rddreg [dreg:$0x3];
	[sflag:s7] =	ssyncset.done $0x0  }
0x2d: {  	s10 =	rddreg [dreg:$0x6];
	[sflag:s7] =	ssyncadd.s32 $0xFFFFFFC0  }
0x2e: {  	[tilespmem:s10], [sflag:$0x2] =	stream.linear.gather [hbm4b:s0+s2], $0x40, $0x38;
	[tilespmem:$0x18100] =	vst v63  }
0x2f: {  	_ =	swait.ge [sflag:s7], $0x40  }
0x30: {  	[sflag:s7] =	ssyncset.done $0x0  }
0x31: {  	[sflag:s7] =	ssyncadd.s32 $0xFFFFFFC0  }
0x32: {  	v3 =	vld [tilespmem:$0x0];
	_ =	sdelay $0x4  }
0x33: {  	v4 =	vshrl.u32 v3, $0x3  }
0x34: {  	v4 =	vmul.u32 $0x30, v4  }
0x35: {  	v3 =	vand.u32 $0x7, v3  }
0x36: {  	v3 =	vor.u32 v3, v4  }
0x37: {  	v4 =	vperm.xlane v3, v0;
	_ =	sdelay $0x1  }
0x38: {  	v4 =	vadd.s32 v1, v4;
	_ =	sdelay $0x3  }
0x39: {  	v3 =	vperm.xlane v3, v2  }
0x3a: {  	[tilespmem:s8], [sflag:$0x1] =	stream.indirect_vreg.gather [hbm4b:s3+s2], $0x80, v4, vm0, $0xb8;
	[tilespmem:$0x18100] =	vst v63  }
0x3b: {  	s0 =	rddreg [dreg:$0x7];
	v3 =	vadd.s32 v1, v3  }
0x3c: {  	[tilespmem:s0], [sflag:$0x1] =	stream.indirect_vreg.gather [hbm4b:s4+s2], $0x80, v4, vm0, $0xb8;
	[tilespmem:$0x18100] =	vst v63  }
0x3d: {  	s10 =	rddreg [dreg:$0x8]  }
0x3e: {  	[tilespmem:s10], [sflag:$0x1] =	stream.indirect_vreg.gather [hbm4b:s5+s2], $0x80, v4, vm0, $0xb8;
	[tilespmem:$0x18100] =	vst v63  }
0x3f: {  	s0 =	rddreg [dreg:$0x9]  }
0x40: {  	[tilespmem:s0], [sflag:$0x1] =	stream.indirect_vreg.gather [hbm4b:s3+s2], $0x80, v3, vm0, $0xb8;
	[tilespmem:$0x18100] =	vst v63  }
0x41: {  	s10 =	rddreg [dreg:$0xa]  }
0x42: {  	[tilespmem:s10], [sflag:$0x1] =	stream.indirect_vreg.gather [hbm4b:s4+s2], $0x80, v3, vm0, $0xb8;
	[tilespmem:$0x18100] =	vst v63  }
0x43: {  	s0 =	rddreg [dreg:$0xb]  }
0x44: {  	[tilespmem:s0], [sflag:$0x1] =	stream.indirect_vreg.gather [hbm4b:s5+s2], $0x80, v3, vm0, $0xb8;
	[tilespmem:$0x18100] =	vst v63  }
0x45: {  	v3 =	vld [tilespmem:$0x10];
	_ =	sdelay $0x4  }
0x46: {  	v57 =	vshrl.u32 v3, $0x3  }
0x47: {  	v4 =	vmul.u32 $0x30, v57  }
0x48: {  	v3 =	vand.u32 $0x7, v3  }
0x49: {  	v3 =	vor.u32 v3, v4  }
0x4a: {  	v4 =	vperm.xlane v3, v0;
	_ =	sdelay $0x1  }
0x4b: {  	v4 =	vadd.s32 v1, v4;
	_ =	sdelay $0x3  }
0x4c: {  	s0 =	rddreg [dreg:$0xc];
	v3 =	vperm.xlane v3, v2  }
0x4d: {  	[tilespmem:s0], [sflag:$0x1] =	stream.indirect_vreg.gather [hbm4b:s3+s2], $0x80, v4, vm0, $0xb8;
	[tilespmem:$0x18100] =	vst v63  }
0x4e: {  	s10 =	rddreg [dreg:$0xd];
	v3 =	vadd.s32 v1, v3  }
0x4f: {  	[tilespmem:s10], [sflag:$0x1] =	stream.indirect_vreg.gather [hbm4b:s4+s2], $0x80, v4, vm0, $0xb8;
	[tilespmem:$0x18100] =	vst v63  }
0x50: {  	s0 =	rddreg [dreg:$0xe]  }
0x51: {  	[tilespmem:s0], [sflag:$0x1] =	stream.indirect_vreg.gather [hbm4b:s5+s2], $0x80, v4, vm0, $0xb8;
	[tilespmem:$0x18100] =	vst v63  }
0x52: {  	s10 =	rddreg [dreg:$0xf]  }
0x53: {  	[tilespmem:s10], [sflag:$0x1] =	stream.indirect_vreg.gather [hbm4b:s3+s2], $0x80, v3, vm0, $0xb8;
	[tilespmem:$0x18100] =	vst v63  }
0x54: {  	s0 =	rddreg [dreg:$0x10]  }
0x55: {  	[tilespmem:s0], [sflag:$0x1] =	stream.indirect_vreg.gather [hbm4b:s4+s2], $0x80, v3, vm0, $0xb8;
	[tilespmem:$0x18100] =	vst v63  }
0x56: {  	s10 =	rddreg [dreg:$0x11]  }
0x57: {  	[tilespmem:s10], [sflag:$0x1] =	stream.indirect_vreg.gather [hbm4b:s5+s2], $0x80, v3, vm0, $0xb8;
	[tilespmem:$0x18100] =	vst v63  }
0x58: {  	v3 =	vld [tilespmem:$0x20];
	_ =	sdelay $0x4  }
0x59: {  	v58 =	vshrl.u32 v3, $0x3  }
0x5a: {  	v4 =	vmul.u32 $0x30, v58  }
0x5b: {  	v3 =	vand.u32 $0x7, v3  }
0x5c: {  	v3 =	vor.u32 v3, v4  }
0x5d: {  	v4 =	vperm.xlane v3, v0;
	_ =	sdelay $0x1  }
0x5e: {  	v4 =	vadd.s32 v1, v4;
	_ =	sdelay $0x3  }
0x5f: {  	s0 =	rddreg [dreg:$0x12];
	v3 =	vperm.xlane v3, v2  }
0x60: {  	[tilespmem:s0], [sflag:$0x1] =	stream.indirect_vreg.gather [hbm4b:s3+s2], $0x80, v4, vm0, $0xb8;
	[tilespmem:$0x18100] =	vst v63  }
0x61: {  	s10 =	rddreg [dreg:$0x13];
	v3 =	vadd.s32 v1, v3  }
0x62: {  	[tilespmem:s10], [sflag:$0x1] =	stream.indirect_vreg.gather [hbm4b:s4+s2], $0x80, v4, vm0, $0xb8;
	[tilespmem:$0x18100] =	vst v63  }
0x63: {  	s0 =	rddreg [dreg:$0x14]  }
0x64: {  	[tilespmem:s0], [sflag:$0x1] =	stream.indirect_vreg.gather [hbm4b:s5+s2], $0x80, v4, vm0, $0xb8;
	[tilespmem:$0x18100] =	vst v63  }
0x65: {  	s10 =	rddreg [dreg:$0x15]  }
0x66: {  	[tilespmem:s10], [sflag:$0x1] =	stream.indirect_vreg.gather [hbm4b:s3+s2], $0x80, v3, vm0, $0xb8;
	[tilespmem:$0x18100] =	vst v63  }
0x67: {  	s0 =	rddreg [dreg:$0x16]  }
0x68: {  	[tilespmem:s0], [sflag:$0x1] =	stream.indirect_vreg.gather [hbm4b:s4+s2], $0x80, v3, vm0, $0xb8;
	[tilespmem:$0x18100] =	vst v63  }
0x69: {  	s10 =	rddreg [dreg:$0x17]  }
0x6a: {  	[tilespmem:s10], [sflag:$0x1] =	stream.indirect_vreg.gather [hbm4b:s5+s2], $0x80, v3, vm0, $0xb8;
	[tilespmem:$0x18100] =	vst v63  }
0x6b: {  	v3 =	vld [tilespmem:$0x30];
	_ =	sdelay $0x4  }
0x6c: {  	v59 =	vshrl.u32 v3, $0x3  }
0x6d: {  	v4 =	vmul.u32 $0x30, v59  }
0x6e: {  	v3 =	vand.u32 $0x7, v3  }
0x6f: {  	v3 =	vor.u32 v3, v4  }
0x70: {  	v4 =	vperm.xlane v3, v0;
	_ =	sdelay $0x1  }
0x71: {  	v4 =	vadd.s32 v1, v4;
	_ =	sdelay $0x3  }
0x72: {  	s0 =	rddreg [dreg:$0x18];
	v3 =	vperm.xlane v3, v2  }
0x73: {  	[tilespmem:s0], [sflag:$0x1] =	stream.indirect_vreg.gather [hbm4b:s3+s2], $0x80, v4, vm0, $0xb8;
	[tilespmem:$0x18100] =	vst v63  }
0x74: {  	s10 =	rddreg [dreg:$0x19];
	v3 =	vadd.s32 v1, v3  }
0x75: {  	[tilespmem:s10], [sflag:$0x1] =	stream.indirect_vreg.gather [hbm4b:s4+s2], $0x80, v4, vm0, $0xb8;
	[tilespmem:$0x18100] =	vst v63  }
0x76: {  	s0 =	rddreg [dreg:$0x1a]  }
0x77: {  	[tilespmem:s0], [sflag:$0x1] =	stream.indirect_vreg.gather [hbm4b:s5+s2], $0x80, v4, vm0, $0xb8;
	[tilespmem:$0x18100] =	vst v63  }
0x78: {  	s10 =	rddreg [dreg:$0x1b]  }
0x79: {  	[tilespmem:s10], [sflag:$0x1] =	stream.indirect_vreg.gather [hbm4b:s3+s2], $0x80, v3, vm0, $0xb8;
	[tilespmem:$0x18100] =	vst v63  }
0x7a: {  	s0 =	rddreg [dreg:$0x1c]  }
0x7b: {  	[tilespmem:s0], [sflag:$0x1] =	stream.indirect_vreg.gather [hbm4b:s4+s2], $0x80, v3, vm0, $0xb8;
	[tilespmem:$0x18100] =	vst v63  }
0x7c: {  	s10 =	rddreg [dreg:$0x1d]  }
0x7d: {  	[tilespmem:s10], [sflag:$0x1] =	stream.indirect_vreg.gather [hbm4b:s5+s2], $0x80, v3, vm0, $0xb8;
	[tilespmem:$0x18100] =	vst v63  }
0x7e: {  	v3 =	vld [tilespmem:$0x80];
	_ =	sdelay $0x4  }
0x7f: {  	v60 =	vshrl.u32 v3, $0x3  }
0x80: {  	v4 =	vmul.u32 $0x30, v60  }
0x81: {  	v3 =	vand.u32 $0x7, v3  }
0x82: {  	v3 =	vor.u32 v3, v4  }
0x83: {  	v4 =	vperm.xlane v3, v0;
	_ =	sdelay $0x1  }
0x84: {  	v4 =	vadd.s32 v1, v4;
	_ =	sdelay $0x3  }
0x85: {  	s0 =	rddreg [dreg:$0x1e];
	v3 =	vperm.xlane v3, v2  }
0x86: {  	[tilespmem:s9], [sflag:$0x1] =	stream.indirect_vreg.gather [hbm4b:s3+s2], $0x80, v4, vm0, $0xb8;
	[tilespmem:$0x18100] =	vst v63  }
0x87: {  	s10 =	rddreg [dreg:$0x1f];
	v3 =	vadd.s32 v1, v3  }
0x88: {  	[tilespmem:s0], [sflag:$0x1] =	stream.indirect_vreg.gather [hbm4b:s4+s2], $0x80, v4, vm0, $0xb8;
	[tilespmem:$0x18100] =	vst v63  }
0x89: {  	s0 =	sld [smem:$0x7FC]  }
0x8a: {  	[tilespmem:s10], [sflag:$0x1] =	stream.indirect_vreg.gather [hbm4b:s5+s2], $0x80, v4, vm0, $0xb8;
	[tilespmem:$0x18100] =	vst v63  }
0x8b: {  	s10 =	sld [smem:$0x7FD]  }
0x8c: {  	[tilespmem:s0], [sflag:$0x1] =	stream.indirect_vreg.gather [hbm4b:s3+s2], $0x80, v3, vm0, $0xb8;
	[tilespmem:$0x18100] =	vst v63  }
0x8d: {  	_ = 	snop  }
0x8e: {  	[tilespmem:s10], [sflag:$0x1] =	stream.indirect_vreg.gather [hbm4b:s4+s2], $0x80, v3, vm0, $0xb8;
	[tilespmem:$0x18100] =	vst v63  }
0x8f: {  	s10 =	simm.s32 $0xE900  }
0x90: {  	[tilespmem:s10], [sflag:$0x1] =	stream.indirect_vreg.gather [hbm4b:s5+s2], $0x80, v3, vm0, $0xb8;
	[tilespmem:$0x18100] =	vst v63  }
0x91: {  	v3 =	vld [tilespmem:$0x90];
	_ =	sdelay $0x4  }
0x92: {  	v61 =	vshrl.u32 v3, $0x3  }
0x93: {  	v4 =	vmul.u32 $0x30, v61  }
0x94: {  	v3 =	vand.u32 $0x7, v3  }
0x95: {  	v3 =	vor.u32 v3, v4  }
0x96: {  	v4 =	vperm.xlane v3, v0;
	_ =	sdelay $0x1  }
0x97: {  	v4 =	vadd.s32 v1, v4;
	_ =	sdelay $0x3  }
0x98: {  	v3 =	vperm.xlane v3, v2  }
0x99: {  	[tilespmem:s11], [sflag:$0x1] =	stream.indirect_vreg.gather [hbm4b:s3+s2], $0x80, v4, vm0, $0xb8;
	[tilespmem:$0x18100] =	vst v63  }
0x9a: {  	v3 =	vadd.s32 v1, v3  }
0x9b: {  	[tilespmem:s12], [sflag:$0x1] =	stream.indirect_vreg.gather [hbm4b:s4+s2], $0x80, v4, vm0, $0xb8;
	[tilespmem:$0x18100] =	vst v63  }
0x9c: {  	_ = 	snop  }
0x9d: {  	[tilespmem:s13], [sflag:$0x1] =	stream.indirect_vreg.gather [hbm4b:s5+s2], $0x80, v4, vm0, $0xb8;
	[tilespmem:$0x18100] =	vst v63  }
0x9e: {  	_ = 	snop  }
0x9f: {  	[tilespmem:s14], [sflag:$0x1] =	stream.indirect_vreg.gather [hbm4b:s3+s2], $0x80, v3, vm0, $0xb8;
	[tilespmem:$0x18100] =	vst v63  }
0xa0: {  	_ = 	snop  }
0xa1: {  	[tilespmem:s15], [sflag:$0x1] =	stream.indirect_vreg.gather [hbm4b:s4+s2], $0x80, v3, vm0, $0xb8;
	[tilespmem:$0x18100] =	vst v63  }
0xa2: {  	_ = 	snop  }
0xa3: {  	[tilespmem:s16], [sflag:$0x1] =	stream.indirect_vreg.gather [hbm4b:s5+s2], $0x80, v3, vm0, $0xb8;
	[tilespmem:$0x18100] =	vst v63  }
0xa4: {  	v3 =	vld [tilespmem:$0xA0];
	_ =	sdelay $0x4  }
0xa5: {  	v62 =	vshrl.u32 v3, $0x3  }
0xa6: {  	v4 =	vmul.u32 $0x30, v62  }
0xa7: {  	v3 =	vand.u32 $0x7, v3  }
0xa8: {  	v3 =	vor.u32 v3, v4  }
0xa9: {  	v4 =	vperm.xlane v3, v0;
	_ =	sdelay $0x1  }
0xaa: {  	v4 =	vadd.s32 v1, v4;
	_ =	sdelay $0x3  }
0xab: {  	v3 =	vperm.xlane v3, v2  }
0xac: {  	[tilespmem:s17], [sflag:$0x1] =	stream.indirect_vreg.gather [hbm4b:s3+s2], $0x80, v4, vm0, $0xb8;
	[tilespmem:$0x18100] =	vst v63  }
0xad: {  	v3 =	vadd.s32 v1, v3  }
0xae: {  	[tilespmem:s18], [sflag:$0x1] =	stream.indirect_vreg.gather [hbm4b:s4+s2], $0x80, v4, vm0, $0xb8;
	[tilespmem:$0x18100] =	vst v63  }
0xaf: {  	_ = 	snop  }
0xb0: {  	[tilespmem:s19], [sflag:$0x1] =	stream.indirect_vreg.gather [hbm4b:s5+s2], $0x80, v4, vm0, $0xb8;
	[tilespmem:$0x18100] =	vst v63  }
0xb1: {  	_ = 	snop  }
0xb2: {  	[tilespmem:s20], [sflag:$0x1] =	stream.indirect_vreg.gather [hbm4b:s3+s2], $0x80, v3, vm0, $0xb8;
	[tilespmem:$0x18100] =	vst v63  }
0xb3: {  	_ = 	snop  }
0xb4: {  	[tilespmem:s21], [sflag:$0x1] =	stream.indirect_vreg.gather [hbm4b:s4+s2], $0x80, v3, vm0, $0xb8;
	[tilespmem:$0x18100] =	vst v63  }
0xb5: {  	_ = 	snop  }
0xb6: {  	[tilespmem:s22], [sflag:$0x1] =	stream.indirect_vreg.gather [hbm4b:s5+s2], $0x80, v3, vm0, $0xb8;
	[tilespmem:$0x18100] =	vst v63  }
0xb7: {  	v3 =	vld [tilespmem:$0xB0];
	_ =	sdelay $0x4  }
0xb8: {  	v63 =	vshrl.u32 v3, $0x3  }
0xb9: {  	v4 =	vmul.u32 $0x30, v63  }
0xba: {  	v3 =	vand.u32 $0x7, v3  }
0xbb: {  	v3 =	vor.u32 v3, v4  }
0xbc: {  	v4 =	vperm.xlane v3, v0;
	_ =	sdelay $0x1  }
0xbd: {  	v4 =	vadd.s32 v1, v4;
	_ =	sdelay $0x3  }
0xbe: {  	v3 =	vperm.xlane v3, v2  }
0xbf: {  	[tilespmem:s23], [sflag:$0x1] =	stream.indirect_vreg.gather [hbm4b:s3+s2], $0x80, v4, vm0, $0xb8;
	[tilespmem:$0x18100] =	vst v63  }
0xc0: {  	v3 =	vadd.s32 v1, v3  }
0xc1: {  	[tilespmem:s24], [sflag:$0x1] =	stream.indirect_vreg.gather [hbm4b:s4+s2], $0x80, v4, vm0, $0xb8;
	[tilespmem:$0x18100] =	vst v63  }
0xc2: {  	_ = 	snop  }
0xc3: {  	[tilespmem:s25], [sflag:$0x1] =	stream.indirect_vreg.gather [hbm4b:s5+s2], $0x80, v4, vm0, $0xb8;
	[tilespmem:$0x18100] =	vst v63  }
0xc4: {  	_ = 	snop  }
0xc5: {  	[tilespmem:s26], [sflag:$0x1] =	stream.indirect_vreg.gather [hbm4b:s3+s2], $0x80, v3, vm0, $0xb8;
	[tilespmem:$0x18100] =	vst v63  }
0xc6: {  	_ = 	snop  }
0xc7: {  	[tilespmem:s28], [sflag:$0x1] =	stream.indirect_vreg.gather [hbm4b:s4+s2], $0x80, v3, vm0, $0xb8;
	[tilespmem:$0x18100] =	vst v63  }
0xc8: {  	_ = 	snop  }
0xc9: {  	[tilespmem:s29], [sflag:$0x1] =	stream.indirect_vreg.gather [hbm4b:s5+s2], $0x80, v3, vm0, $0xb8;
	[tilespmem:$0x18100] =	vst v63  }
0xca: {  	_ =	swait.ge [sflag:s30], $0xC000  }
0xcb: {  	[sflag:s30] =	ssyncset.done $0x0  }
0xcc: {  	[sflag:s30] =	ssyncadd.s32 $0xFFFF4000  }
0xcd: {  	_ =	swait.ge [sflag:s30], $0xC000  }
0xce: {  	[sflag:s30] =	ssyncset.done $0x0  }
0xcf: {  	s10 =	rddreg [dreg:$0x4];
	[sflag:s30] =	ssyncadd.s32 $0xFFFF4000  }
0xd0: {  	[hbm4b:s10+s31] =	stream.strided.scatter [tilespmem:s8], [sflag:$0x2], $0xC000, s1, s31, $0x38;
	[tilespmem:$0x18100] =	vst v63  }
0xd1: {  	_ =	swait.ge [sflag:s7], $0xC000  }
0xd2: {  	p0 =	sne.s32 s6, $0x1;
	[sflag:s7] =	ssyncset.done $0x0  }
.Ltmp0:
0xd3: {  	s10 =	rddreg [dreg:$0x5];
	[sflag:s7] =	ssyncadd.s32 $0xFFFF4000;
	(pc) =	sbr.rel @p0 .LBB2_1-.Ltmp0, $4  }
0xd4: {  	[hbm4b:s10+s31] =	stream.strided.scatter [tilespmem:s9], [sflag:$0x2], $0xC000, s1, s31, $0x38;
	[tilespmem:$0x18100] =	vst v63  }
0xd5: {  	_ =	swait.ge [sflag:s7], $0xC000  }
0xd6: {  	[sflag:s7] =	ssyncset.done $0x0  }
0xd7: {  	s6 =	sadd.s32 $0xFFFFFFFF, s6;
	[sflag:s7] =	ssyncadd.s32 $0xFFFF4000  }
0xd8: {  	_ =	sfence.sel $0x180000  }
0xd9: {  	[bflag:$0x0] =	sbarrier.arrive $0xFFFF  }
0xda: {  	_ =	strace $0x9000004A  }
0xdb: {  	s0 =	stileid.u32;
	[bflag:$0x2] =	sbarrier.arrive $0xFFFF  }
0xdc: {  	p0 =	sne.s32 s0, $0x0;
	s0 =	rddreg [dreg:$0x1]  }
0xdd: {  	s0 =	sadd.s32 @!p0 $0x100000, s0  }
0xde: {  	[sflag:s0] =	ssyncadd.tile.s32 @!p0 $0x1;
	_ =	shalt  }
.Lfunc_end2:
_tile_overlayer_lowered:
.L_overlay_start_2:
0xdf: {  	(tag) =	ssettag $0x2  }
0xe0: {  	s0 =	rddreg [dreg:$0x0];
	s2 =	stileid.u32  }
0xe1: {  	s1 =	rddreg [dreg:$0x1];
	p0 =	sne.s32 s2, $0x0  }
0xe2: {  	s3 =	rddreg [dreg:$0x2];
	[bflag:$0x3] =	sbarrier.arrive $0xFFFF;
	s2 =	simm.s32 @!p0 $0x1C02  }
0xe3: {  	[timem:s3], [sflag:s2] =	dma.local @!p0 [hbm:s0], s1  }
0xe4: {  	s0 =	simm.s32 @!p0 $0x2  }
0xe5: {  	_ =	swait.ge @!p0 [sflag:s0], s1  }
0xe6: {  	s1 =	ssub.s32 @!p0 $0x0, s1;
	[sflag:s0] =	ssyncset.done @!p0 $0x0  }
0xe7: {  	[sflag:s0] =	ssyncadd.s32 @!p0 s1  }
0xe8: {  	[bflag:$0x3] =	sbarrier.arrive $0xFFFF  }
0xe9: {  	_ =	shalt  }

// kernel: kernel.7.cloned.1.call-start
scs
__scs_entry_jumppad:
0x0: {  	(pc) =	sbr.rel $0x88, $3  }
0x1: {  	(tag) =	ssettag $0x0;
	lr =	simm.s32 $0x1  }
0x2: {  	[smem:$0x3F9A] =	sst lr;
	_ =	strace $0xD0000000  }
0x3: {  	_ = 	snop  }
0x4: {  	_ = 	snop  }
0x5: {  	_ = 	snop  }
0x6: {  	_ = 	snop  }
0x7: {  	_ = 	snop  }
__scs_overlays_trampoline_lowered:
0x8: {  	[smem:$0x3FA9] =	sst s0  }
0x9: {  	[smem:$0x3FAA] =	sst s1  }
0xa: {  	[smem:$0x3FAB] =	sst s2  }
0xb: {  	[smem:$0x3FAC] =	sst s3  }
0xc: {  	[smem:$0x3FAD] =	sst s4  }
0xd: {  	[smem:$0x3FAE] =	sst s5  }
0xe: {  	[smem:$0x3FAF] =	sst s6  }
0xf: {  	[smem:$0x3FB0] =	sst s7  }
0x10: {  	[smem:$0x3FB1] =	sst s8  }
0x11: {  	[smem:$0x3FB2] =	sst s9;
	s0 =	simm.s32 @!p0 $0x0  }
0x12: {  	s1 =	sld [smem:$0x3F98];
	s0 =	simm.s32 @p0 $0x1  }
0x13: {  	[smem:$0x3FB3] =	sst s0;
	s0 =	simm.s32 @!p1 $0x0  }
0x14: {  	s2 =	sld [smem:$0x3F97];
	s0 =	simm.s32 @p1 $0x1  }
0x15: {  	[smem:$0x3FB4] =	sst s0;
	s0 =	simm.s32 @!p2 $0x0  }
0x16: {  	s3 =	sld [smem:$0x3FDB];
	s0 =	simm.s32 @p2 $0x1  }
0x17: {  	s4 =	simm.s32 $0x1BF5;
	[smem:$0x3FB6] =	sst s0  }
0x18: {  	s0 =	sld [smem:$0x3F99];
	_ =	swait.ge [sflag:s4], $0x0  }
0x19: {  	s7 =	sld [smem:$0x3F9A]  }
0x1a: {  	s8 =	sadd.s32 $0xFFFFE003, lr  }
0x1b: {  	s9 =	sadd.s32 $0xFFFFFEF7, lr;
	s5 =	simm.s32 $0xFFFFFFFF;
	p2 =	slt.u32 s8, $0xFFFFF086  }
0x1c: {  	p1 =	slt.u32 s9, $0xF7A;
	s5 =	simm.s32 @!p2 $0x0  }
0x1d: {  	s5 =	simm.s32 @p1 $0x1;
	p0 =	seq.s32 s7, s2  }
0x1e: {  	s7 =	smul.u32 @!p0 $0xF7A, s2;
	p2 =	seq.s32 @!p0 s5, $0x0  }
0x1f: {  	s9 =	smul.u32 $0xF7A, s1;
	s8 =	simm.s32 @!p0 $0x1BF5;
	p2 =	por !p2, p0  }
0x20: {  	[sflag:s8] =	ssyncset.s32 @!p0 $0xFFFFF086;
	s6 =	sadd.s32 @!p0 s3, s7;
	s7 =	simm.s32 @!p0 $0x108  }
0x21: {  	s3 =	sadd.s32 s3, s9;
	s6 =	sadd.s32 @!p0 $0x88, s6;
	s7 =	simm.s32 @p2 $0x1082  }
0x22: {  	[simem:s7], [sflag:s8] =	dma.local @!p0 [hbm:s6], $0xF7A  }
0x23: {  	s9 =	sor.u32 $0xD0000000, s2;
	s6 =	simm.s32 $0x108;
	_ =	swait.ge @!p0 [sflag:s8], $0x0  }
0x24: {  	s3 =	sadd.s32 $0x88, s3;
	s6 =	simm.s32 @!p1 $0x1082;
	[sflag:s4] =	ssyncset.s32 $0xFFFFF086  }
0x25: {  	[simem:s6], [sflag:s4] =	dma.local [hbm:s3], $0xF7A  }
0x26: {  	[smem:$0x3F9A] =	sst s1;
	(tag) =	ssettag s2;
	_ =	strace s9  }
0x27: {  	s1 =	sld [smem:$0x3FAA]  }
0x28: {  	s2 =	sld [smem:$0x3FAB]  }
0x29: {  	s4 =	sld [smem:$0x3FAD]  }
0x2a: {  	p0 =	seq.s32 s5, $0x0;
	s5 =	sld [smem:$0x3FAE]  }
0x2b: {  	s6 =	sld [smem:$0x3FAF]  }
0x2c: {  	s7 =	sld [smem:$0x3FB0]  }
0x2d: {  	s3 =	simm.s32 $0x108;
	s8 =	sld [smem:$0x3FB1]  }
0x2e: {  	s3 =	simm.s32 @!p0 $0x1082;
	s9 =	sld [smem:$0x3FB2]  }
0x2f: {  	lr =	sadd.s32 s0, s3;
	s0 =	sld [smem:$0x3FA9]  }
0x30: {  	s3 =	sld [smem:$0x3FAC]  }
0x31: {  	[smem:$0x3FB5] =	sst s10  }
0x32: {  	s10 =	sld [smem:$0x3FB3];
	_ =	sdelay $0x3  }
0x33: {  	p0 =	seq.s32 s10, $0x1;
	s10 =	sld [smem:$0x3FB5];
	_ =	sdelay $0x3  }
0x34: {  	[smem:$0x3FB5] =	sst s10  }
0x35: {  	s10 =	sld [smem:$0x3FB4];
	_ =	sdelay $0x3  }
0x36: {  	p1 =	seq.s32 s10, $0x1;
	s10 =	sld [smem:$0x3FB5];
	_ =	sdelay $0x3  }
0x37: {  	[smem:$0x3FB5] =	sst s10  }
0x38: {  	s10 =	sld [smem:$0x3FB6]  }
0x39: {  	_ = 	snop;
	(pc) =	sbr.ind lr, $3  }
0x3a: {  	_ = 	snop  }
0x3b: {  	_ = 	snop  }
0x3c: {  	p2 =	seq.s32 s10, $0x1;
	s10 =	sld [smem:$0x3FB5]  }
0x3d: {  	_ =	shalt  }
0x3e: {  	_ =	shalt  }
0x3f: {  	_ =	shalt  }
0x40: {  	_ =	shalt  }
0x41: {  	_ =	shalt  }
0x42: {  	_ =	shalt  }
0x43: {  	_ =	shalt  }
0x44: {  	_ =	shalt  }
0x45: {  	_ =	shalt  }
0x46: {  	_ =	shalt  }
0x47: {  	_ =	shalt  }
0x48: {  	_ =	shalt  }
0x49: {  	_ =	shalt  }
0x4a: {  	_ =	shalt  }
0x4b: {  	_ =	shalt  }
0x4c: {  	_ =	shalt  }
0x4d: {  	_ =	shalt  }
0x4e: {  	_ =	shalt  }
0x4f: {  	_ =	shalt  }
0x50: {  	_ =	shalt  }
0x51: {  	_ =	shalt  }
0x52: {  	_ =	shalt  }
0x53: {  	_ =	shalt  }
0x54: {  	_ =	shalt  }
0x55: {  	_ =	shalt  }
0x56: {  	_ =	shalt  }
0x57: {  	_ =	shalt  }
0x58: {  	_ =	shalt  }
0x59: {  	_ =	shalt  }
0x5a: {  	_ =	shalt  }
0x5b: {  	_ =	shalt  }
0x5c: {  	_ =	shalt  }
0x5d: {  	_ =	shalt  }
0x5e: {  	_ =	shalt  }
0x5f: {  	_ =	shalt  }
0x60: {  	_ =	shalt  }
0x61: {  	_ =	shalt  }
0x62: {  	_ =	shalt  }
0x63: {  	_ =	shalt  }
0x64: {  	_ =	shalt  }
0x65: {  	_ =	shalt  }
0x66: {  	_ =	shalt  }
0x67: {  	_ =	shalt  }
0x68: {  	_ =	shalt  }
0x69: {  	_ =	shalt  }
0x6a: {  	_ =	shalt  }
0x6b: {  	_ =	shalt  }
0x6c: {  	_ =	shalt  }
0x6d: {  	_ =	shalt  }
0x6e: {  	_ =	shalt  }
0x6f: {  	_ =	shalt  }
0x70: {  	_ =	shalt  }
0x71: {  	_ =	shalt  }
0x72: {  	_ =	shalt  }
0x73: {  	_ =	shalt  }
0x74: {  	_ =	shalt  }
0x75: {  	_ =	shalt  }
0x76: {  	_ =	shalt  }
0x77: {  	_ =	shalt  }
0x78: {  	_ =	shalt  }
0x79: {  	_ =	shalt  }
0x7a: {  	_ =	shalt  }
0x7b: {  	_ =	shalt  }
0x7c: {  	_ =	shalt  }
0x7d: {  	_ =	shalt  }
0x7e: {  	_ =	shalt  }
0x7f: {  	_ =	shalt  }
0x80: {  	_ =	shalt  }
0x81: {  	_ =	shalt  }
0x82: {  	_ =	shalt  }
0x83: {  	_ =	shalt  }
0x84: {  	_ =	shalt  }
0x85: {  	_ =	shalt  }
0x86: {  	_ =	shalt  }
0x87: {  	_ =	shalt  }
.Lfunc_end0:
.L_simem_size_0:
called_computation_lowered:
.L_overlay_start_0:
0x88: {  	s2 =	sld [smem:$0x3FD9]  }
0x89: {  	s3 =	sld [smem:$0x3FFE];
	_ =	sdelay $0x1  }
0x8a: {  	s1 =	srdreg.scid  }
0x8b: {  	s0 =	sand.u32 $0x1, s1  }
0x8c: {  	s17 =	sshll.u32 s0, $0xA;
	s2 =	sadd.s32 s3, s2  }
0x8d: {  	s2 =	sadd.s32 s2, s17  }
0x8e: {  	[smem:$0x3FC1] =	sst s2  }
0x8f: {  	_ = 	snop  }
0x90: {  	s2 =	sld [smem:$0x3FC9];
	(tm) =	ssettm $0x1  }
0x91: {  	s18 =	sld [smem:$0x3FFB];
	_ =	sdelay $0x3  }
0x92: {  	_ =	strace s18  }
0x93: {  	s3 =	sld [smem:$0x3FFC];
	_ =	sdelay $0x3  }
0x94: {  	_ =	strace s3  }
0x95: {  	s3 =	sld [smem:$0x3FFD];
	_ =	sdelay $0x3  }
0x96: {  	_ =	strace s3  }
0x97: {  	_ =	strace $0x8FFFFFFF  }
0x98: {  	s19 =	sld [smem:$0x3FDB];
	_ =	sdelay $0x1  }
0x99: {  	s4 =	simm.s32 $_scs_section_size  }
0x9a: {  	s5 =	simm.s32 $_size__tile_overlayer_lowered;
	s6 =	simm.s32 $_tile_overlayer_lowered  }
0x9b: {  	s22 =	simm.s32 $0x1BFF;
	s21 =	sshll.u32 s6, $0x1;
	s3 =	sadd.s32 s4, s19  }
0x9c: {  	s7 =	simm.s32 $0x0;
	s20 =	sshll.u32 s5, $0x1;
	s5 =	sadd.s32 s21, s3  }
0x9d: {  	[timem:s7], [sflag:s22] =	dma.local [hbm:s5], s20  }
0x9e: {  	_ =	swait.ge [sflag:s22], s20  }
0x9f: {  	s4 =	ssub.s32 $0x0, s20;
	[sflag:s22] =	ssyncset.done $0x0  }
0xa0: {  	[sflag:s22] =	ssyncadd.s32 s4;
	_ =	sdelay $0x1  }
0xa1: {  	s23 =	simm.s32 $0x1B8B  }
0xa2: {  	_ =	swait.ge [sflag:s23], $0x1  }
0xa3: {  	[sflag:s23] =	ssyncset.done $0x0  }
0xa4: {  	s25 =	simm.s32 $0x1B8E;
	s24 =	sld [smem:$0x3FFE];
	[sflag:s23] =	ssyncadd.s32 $0xFFFFFFFF  }
0xa5: {  	s26 =	simm.s32 $execute0_lowered;
	[smem:$0x3FD2] =	sst s25  }
0xa6: {  	s5 =	sshll.u32 s26, $0x1;
	_ =	strace $0x80000046;
	[dreg:$0x1] =	wrdreg $0xFFFFFFFF  }
0xa7: {  	s28 =	simm.s32 $_size_execute0_lowered;
	s3 =	sadd.s32 s3, s5;
	[dreg:$0x0] =	wrdreg $0x0  }
0xa8: {  	s5 =	sshll.u32 s28, $0x1;
	[dreg:$0x2] =	wrdreg s3  }
0xa9: {  	[dreg:$0x3] =	wrdreg s5  }
0xaa: {  	[dreg:$0x4] =	wrdreg $0xC0  }
0xab: {  	_ =	task [dreg:s7], $0x5FFFF  }
0xac: {  	[dreg:$0x1] =	wrdreg $0xFFFFFFFF  }
0xad: {  	[dreg:$0x0] =	wrdreg $0x60  }
0xae: {  	[dreg:$0x2] =	wrdreg s2  }
0xaf: {  	[dreg:$0x3] =	wrdreg s24  }
0xb0: {  	[dreg:$0x4] =	wrdreg $0x9  }
0xb1: {  	_ =	task.clear_ibuf [dreg:s7], $0x5FFFF;
	_ =	strace $0x90000046  }
0xb2: {  	s29 =	simm.s32 $0x9;
	_ =	strace $0x80000048  }
0xb3: {  	_ =	swait.ge [sflag:s29], $0x1  }
0xb4: {  	[sflag:s29] =	ssyncadd.s32 $0xFFFFFFFF  }
0xb5: {  	_ =	strace $0x90000048  }
0xb6: {  	_ =	sfence  }
0xb7: {  	s30 =	sld [smem:$0x0];
	_ =	sdelay $0x2  }
0xb8: {  	s31 =	sshll.u32 s1, $0xD;
	s1 =	sshrl.u32 s1, $0x2  }
0xb9: {  	s3 =	sand.u32 $0x4000, s31;
	s1 =	sadd.s32 s1, s30  }
0xba: {  	s0 =	sor.u32 s3, s0;
	s1 =	sshll.u32 s1, $0x11  }
0xbb: {  	s0 =	sor.u32 s1, s0  }
0xbc: {  	s0 =	sadd.s32 $0x8F2B, s0  }
0xbd: {  	[sflag:s0] =	ssyncadd.remote.s32 $0x1  }
0xbe: {  	_ =	sfence.sel $0xFFFF  }
0xbf: {  	[dreg:$0x0] =	wrdreg $0xFFFFFFFF;
	(pc) =	sbr.abs _section_cstart, $3  }
0xc0: {  	[dreg:$0x1] =	wrdreg $0xFFFFFFFF  }
0xc1: {  	_ =	task.clear_ibuf [dreg:s7], $0x2FFFF;
	_ =	strace $0x9FFFFFFF  }
0xc2: {  	(tm) =	ssettm $0x7FFFFFFF  }
0xc3: {  	_ =	shalt  }
tec
execute0_lowered:
.L_overlay_start_1:
0x0: {  	(tag) =	ssettag $0x1  }
0x1: {  	s0 =	srdreg.scid;
	s1 =	rddreg [dreg:$0x0]  }
0x2: {  	s2 =	stileid.u32;
	s5 =	rddreg [dreg:$0x1]  }
0x3: {  	s26 =	simm.s32 $0x80;
	s7 =	simm.s32 $0x100;
	s8 =	simm.s32 $0x2  }
0x4: {  	s11 =	simm.s32 $0x1900;
	s12 =	simm.s32 $0x2100;
	s13 =	simm.s32 $0x2900  }
0x5: {  	s14 =	simm.s32 $0x3100;
	s15 =	simm.s32 $0x3900;
	s16 =	simm.s32 $0x4100  }
0x6: {  	s17 =	simm.s32 $0x4900;
	s18 =	simm.s32 $0x5100;
	s19 =	simm.s32 $0x5900  }
0x7: {  	s20 =	simm.s32 $0x6100;
	s21 =	simm.s32 $0x6900;
	s22 =	simm.s32 $0x7100  }
0x8: {  	s28 =	simm.s32 $0x9900;
	s29 =	simm.s32 $0xA100;
	s30 =	simm.s32 $0xA900  }
0x9: {  	s0 =	sand.u32 $0x1, s0;
	s3 =	sshll.u32 s2, $0x4;
	s2 =	simm.s32 $0x0  }
0xa: {  	s31 =	simm.s32 $0xB100;
	s4 =	sshll.u32 s0, $0x3;
	[smem:$0x7FF] =	sst s2  }
0xb: {  	s0 =	ssub.s32 $0x2, s0;
	s3 =	sor.u32 s4, s3;
	_ =	strace $0x80000047  }
0xc: {  	s24 =	sshrl.u32 s0, $0x1;
	[dreg:$0x6] =	wrdreg s26;
	s26 =	simm.s32 $0x9100  }
0xd: {  	s4 =	smul.u32 $0x300, s3;
	s6 =	sadd.s32 s3, s5;
	s3 =	sadd.s32 $0x1A00, s5  }
0xe: {  	s0 =	ssub.s32 s0, s24;
	s24 =	simm.s32 $0x8100;
	s23 =	sadd.s32 $0x1600, s6  }
0xf: {  	s25 =	sadd.s32 $0x1800, s6;
	s6 =	smax.u32 s0, $0x1;
	[dreg:$0x4] =	wrdreg s23  }
0x10: {  	v2 =	vlaneseq.u32;
	s0 =	simm.s32 $0x1;
	s1 =	sadd.s32 s1, s4;
	[dreg:$0x5] =	wrdreg s25  }
0x11: {  	vm0 =	vmmov $0xffff;
	v1 =	vshrl.u32 v2, $0x3;
	s4 =	sadd.s32 $0x1B00, s5;
	s5 =	sadd.s32 $0x1C00, s5;
	s23 =	simm.s32 $0x7900  }
0x12: {  	v0 =	vand.u32 $0x7, v2;
	v2 =	vor.u32 $0x8, v2;
	v1 =	vmul.u32 $0x8, v1;
	s25 =	simm.s32 $0x8900;
	[dreg:$0x3] =	wrdreg s1;
	s1 =	simm.s32 $0xB900  }
.LBB2_1:
0x13: {  	s9 =	rddreg [dreg:$0x3]  }
0x14: {  	[tilespmem:s7], [sflag:$0x2] =	stream.linear.gather [hbm4b:s9+s2], $0xC000, $0x38;
	[tilespmem:$0xC100] =	vst v63  }
0x15: {  	_ =	swait.ge [sflag:s8], $0xC000  }
0x16: {  	[sflag:s8] =	ssyncset.done $0x0  }
0x17: {  	s10 =	rddreg [dreg:$0x4];
	[sflag:s8] =	ssyncadd.s32 $0xFFFF4000  }
0x18: {  	[tilespmem:s2], [sflag:$0x2] =	stream.linear.gather [hbm4b:s10+s2], $0x40, $0x38;
	[tilespmem:$0xC100] =	vst v63  }
0x19: {  	_ =	swait.ge [sflag:s8], $0x40  }
0x1a: {  	s9 =	rddreg [dreg:$0x5];
	[sflag:s8] =	ssyncset.done $0x0  }
0x1b: {  	s10 =	rddreg [dreg:$0x6];
	[sflag:s8] =	ssyncadd.s32 $0xFFFFFFC0  }
0x1c: {  	[tilespmem:s10], [sflag:$0x2] =	stream.linear.gather [hbm4b:s9+s2], $0x40, $0x38;
	[tilespmem:$0xC100] =	vst v63  }
0x1d: {  	_ =	swait.ge [sflag:s8], $0x40  }
0x1e: {  	[sflag:s8] =	ssyncset.done $0x0  }
0x1f: {  	[sflag:s8] =	ssyncadd.s32 $0xFFFFFFC0  }
0x20: {  	v3 =	vld [tilespmem:$0x0];
	_ =	sdelay $0x4  }
0x21: {  	v4 =	vshrl.u32 v3, $0x3  }
0x22: {  	v4 =	vmul.u32 $0x30, v4  }
0x23: {  	v3 =	vand.u32 $0x7, v3  }
0x24: {  	v3 =	vor.u32 v3, v4  }
0x25: {  	v4 =	vperm.xlane v3, v0;
	_ =	sdelay $0x1  }
0x26: {  	v4 =	vadd.s32 v1, v4;
	_ =	sdelay $0x3  }
0x27: {  	v3 =	vperm.xlane v3, v2  }
0x28: {  	[hbm4b:s3+s2] =	stream.indirect_vreg.scatter [tilespmem:s7], [sflag:$0x1], $0x80, v4, vm0, $0xb8;
	[tilespmem:$0xC100] =	vst v63  }
0x29: {  	s9 =	simm.s32 $0x900;
	v3 =	vadd.s32 v1, v3  }
0x2a: {  	[hbm4b:s4+s2] =	stream.indirect_vreg.scatter [tilespmem:s9], [sflag:$0x1], $0x80, v4, vm0, $0xb8;
	[tilespmem:$0xC100] =	vst v63  }
0x2b: {  	s10 =	simm.s32 $0x1100  }
0x2c: {  	[hbm4b:s5+s2] =	stream.indirect_vreg.scatter [tilespmem:s10], [sflag:$0x1], $0x80, v4, vm0, $0xb8;
	[tilespmem:$0xC100] =	vst v63  }
0x2d: {  	_ = 	snop  }
0x2e: {  	[hbm4b:s3+s2] =	stream.indirect_vreg.scatter [tilespmem:s11], [sflag:$0x1], $0x80, v3, vm0, $0xb8;
	[tilespmem:$0xC100] =	vst v63  }
0x2f: {  	_ = 	snop  }
0x30: {  	[hbm4b:s4+s2] =	stream.indirect_vreg.scatter [tilespmem:s12], [sflag:$0x1], $0x80, v3, vm0, $0xb8;
	[tilespmem:$0xC100] =	vst v63  }
0x31: {  	_ = 	snop  }
0x32: {  	[hbm4b:s5+s2] =	stream.indirect_vreg.scatter [tilespmem:s13], [sflag:$0x1], $0x80, v3, vm0, $0xb8;
	[tilespmem:$0xC100] =	vst v63  }
0x33: {  	v3 =	vld [tilespmem:$0x10];
	_ =	sdelay $0x4  }
0x34: {  	v57 =	vshrl.u32 v3, $0x3  }
0x35: {  	v4 =	vmul.u32 $0x30, v57  }
0x36: {  	v3 =	vand.u32 $0x7, v3  }
0x37: {  	v3 =	vor.u32 v3, v4  }
0x38: {  	v4 =	vperm.xlane v3, v0;
	_ =	sdelay $0x1  }
0x39: {  	v4 =	vadd.s32 v1, v4;
	_ =	sdelay $0x3  }
0x3a: {  	v3 =	vperm.xlane v3, v2  }
0x3b: {  	[hbm4b:s3+s2] =	stream.indirect_vreg.scatter [tilespmem:s14], [sflag:$0x1], $0x80, v4, vm0, $0xb8;
	[tilespmem:$0xC100] =	vst v63  }
0x3c: {  	v3 =	vadd.s32 v1, v3  }
0x3d: {  	[hbm4b:s4+s2] =	stream.indirect_vreg.scatter [tilespmem:s15], [sflag:$0x1], $0x80, v4, vm0, $0xb8;
	[tilespmem:$0xC100] =	vst v63  }
0x3e: {  	_ = 	snop  }
0x3f: {  	[hbm4b:s5+s2] =	stream.indirect_vreg.scatter [tilespmem:s16], [sflag:$0x1], $0x80, v4, vm0, $0xb8;
	[tilespmem:$0xC100] =	vst v63  }
0x40: {  	_ = 	snop  }
0x41: {  	[hbm4b:s3+s2] =	stream.indirect_vreg.scatter [tilespmem:s17], [sflag:$0x1], $0x80, v3, vm0, $0xb8;
	[tilespmem:$0xC100] =	vst v63  }
0x42: {  	_ = 	snop  }
0x43: {  	[hbm4b:s4+s2] =	stream.indirect_vreg.scatter [tilespmem:s18], [sflag:$0x1], $0x80, v3, vm0, $0xb8;
	[tilespmem:$0xC100] =	vst v63  }
0x44: {  	_ = 	snop  }
0x45: {  	[hbm4b:s5+s2] =	stream.indirect_vreg.scatter [tilespmem:s19], [sflag:$0x1], $0x80, v3, vm0, $0xb8;
	[tilespmem:$0xC100] =	vst v63  }
0x46: {  	v3 =	vld [tilespmem:$0x20];
	_ =	sdelay $0x4  }
0x47: {  	v58 =	vshrl.u32 v3, $0x3  }
0x48: {  	v4 =	vmul.u32 $0x30, v58  }
0x49: {  	v3 =	vand.u32 $0x7, v3  }
0x4a: {  	v3 =	vor.u32 v3, v4  }
0x4b: {  	v4 =	vperm.xlane v3, v0;
	_ =	sdelay $0x1  }
0x4c: {  	v4 =	vadd.s32 v1, v4;
	_ =	sdelay $0x3  }
0x4d: {  	v3 =	vperm.xlane v3, v2  }
0x4e: {  	[hbm4b:s3+s2] =	stream.indirect_vreg.scatter [tilespmem:s20], [sflag:$0x1], $0x80, v4, vm0, $0xb8;
	[tilespmem:$0xC100] =	vst v63  }
0x4f: {  	v3 =	vadd.s32 v1, v3  }
0x50: {  	[hbm4b:s4+s2] =	stream.indirect_vreg.scatter [tilespmem:s21], [sflag:$0x1], $0x80, v4, vm0, $0xb8;
	[tilespmem:$0xC100] =	vst v63  }
0x51: {  	_ = 	snop  }
0x52: {  	[hbm4b:s5+s2] =	stream.indirect_vreg.scatter [tilespmem:s22], [sflag:$0x1], $0x80, v4, vm0, $0xb8;
	[tilespmem:$0xC100] =	vst v63  }
0x53: {  	_ = 	snop  }
0x54: {  	[hbm4b:s3+s2] =	stream.indirect_vreg.scatter [tilespmem:s23], [sflag:$0x1], $0x80, v3, vm0, $0xb8;
	[tilespmem:$0xC100] =	vst v63  }
0x55: {  	_ = 	snop  }
0x56: {  	[hbm4b:s4+s2] =	stream.indirect_vreg.scatter [tilespmem:s24], [sflag:$0x1], $0x80, v3, vm0, $0xb8;
	[tilespmem:$0xC100] =	vst v63  }
0x57: {  	_ = 	snop  }
0x58: {  	[hbm4b:s5+s2] =	stream.indirect_vreg.scatter [tilespmem:s25], [sflag:$0x1], $0x80, v3, vm0, $0xb8;
	[tilespmem:$0xC100] =	vst v63  }
0x59: {  	v3 =	vld [tilespmem:$0x30];
	_ =	sdelay $0x4  }
0x5a: {  	v59 =	vshrl.u32 v3, $0x3  }
0x5b: {  	v4 =	vmul.u32 $0x30, v59  }
0x5c: {  	v3 =	vand.u32 $0x7, v3  }
0x5d: {  	v3 =	vor.u32 v3, v4  }
0x5e: {  	v4 =	vperm.xlane v3, v0;
	_ =	sdelay $0x1  }
0x5f: {  	v4 =	vadd.s32 v1, v4;
	_ =	sdelay $0x3  }
0x60: {  	v3 =	vperm.xlane v3, v2  }
0x61: {  	[hbm4b:s3+s2] =	stream.indirect_vreg.scatter [tilespmem:s26], [sflag:$0x1], $0x80, v4, vm0, $0xb8;
	[tilespmem:$0xC100] =	vst v63  }
0x62: {  	v3 =	vadd.s32 v1, v3  }
0x63: {  	[hbm4b:s4+s2] =	stream.indirect_vreg.scatter [tilespmem:s28], [sflag:$0x1], $0x80, v4, vm0, $0xb8;
	[tilespmem:$0xC100] =	vst v63  }
0x64: {  	_ = 	snop  }
0x65: {  	[hbm4b:s5+s2] =	stream.indirect_vreg.scatter [tilespmem:s29], [sflag:$0x1], $0x80, v4, vm0, $0xb8;
	[tilespmem:$0xC100] =	vst v63  }
0x66: {  	_ = 	snop  }
0x67: {  	[hbm4b:s3+s2] =	stream.indirect_vreg.scatter [tilespmem:s30], [sflag:$0x1], $0x80, v3, vm0, $0xb8;
	[tilespmem:$0xC100] =	vst v63  }
0x68: {  	_ = 	snop  }
0x69: {  	[hbm4b:s4+s2] =	stream.indirect_vreg.scatter [tilespmem:s31], [sflag:$0x1], $0x80, v3, vm0, $0xb8;
	[tilespmem:$0xC100] =	vst v63  }
0x6a: {  	_ = 	snop  }
0x6b: {  	[hbm4b:s5+s2] =	stream.indirect_vreg.scatter [tilespmem:s1], [sflag:$0x1], $0x80, v3, vm0, $0xb8;
	[tilespmem:$0xC100] =	vst v63  }
0x6c: {  	v3 =	vld [tilespmem:$0x80];
	_ =	sdelay $0x4  }
0x6d: {  	v60 =	vshrl.u32 v3, $0x3  }
0x6e: {  	v4 =	vmul.u32 $0x30, v60  }
0x6f: {  	v3 =	vand.u32 $0x7, v3  }
0x70: {  	v3 =	vor.u32 v3, v4  }
0x71: {  	v4 =	vperm.xlane v3, v0;
	_ =	sdelay $0x1  }
0x72: {  	v4 =	vadd.s32 v1, v4;
	_ =	sdelay $0x3  }
0x73: {  	v3 =	vperm.xlane v3, v2  }
0x74: {  	[hbm4b:s3+s2] =	stream.indirect_vreg.scatter [tilespmem:s7], [sflag:$0x1], $0x80, v4, vm0, $0xb8;
	[tilespmem:$0xC100] =	vst v63  }
0x75: {  	v3 =	vadd.s32 v1, v3  }
0x76: {  	[hbm4b:s4+s2] =	stream.indirect_vreg.scatter [tilespmem:s9], [sflag:$0x1], $0x80, v4, vm0, $0xb8;
	[tilespmem:$0xC100] =	vst v63  }
0x77: {  	_ = 	snop  }
0x78: {  	[hbm4b:s5+s2] =	stream.indirect_vreg.scatter [tilespmem:s10], [sflag:$0x1], $0x80, v4, vm0, $0xb8;
	[tilespmem:$0xC100] =	vst v63  }
0x79: {  	_ = 	snop  }
0x7a: {  	[hbm4b:s3+s2] =	stream.indirect_vreg.scatter [tilespmem:s11], [sflag:$0x1], $0x80, v3, vm0, $0xb8;
	[tilespmem:$0xC100] =	vst v63  }
0x7b: {  	_ = 	snop  }
0x7c: {  	[hbm4b:s4+s2] =	stream.indirect_vreg.scatter [tilespmem:s12], [sflag:$0x1], $0x80, v3, vm0, $0xb8;
	[tilespmem:$0xC100] =	vst v63  }
0x7d: {  	_ = 	snop  }
0x7e: {  	[hbm4b:s5+s2] =	stream.indirect_vreg.scatter [tilespmem:s13], [sflag:$0x1], $0x80, v3, vm0, $0xb8;
	[tilespmem:$0xC100] =	vst v63  }
0x7f: {  	v3 =	vld [tilespmem:$0x90];
	_ =	sdelay $0x4  }
0x80: {  	v61 =	vshrl.u32 v3, $0x3  }
0x81: {  	v4 =	vmul.u32 $0x30, v61  }
0x82: {  	v3 =	vand.u32 $0x7, v3  }
0x83: {  	v3 =	vor.u32 v3, v4  }
0x84: {  	v4 =	vperm.xlane v3, v0;
	_ =	sdelay $0x1  }
0x85: {  	v4 =	vadd.s32 v1, v4;
	_ =	sdelay $0x3  }
0x86: {  	v3 =	vperm.xlane v3, v2  }
0x87: {  	[hbm4b:s3+s2] =	stream.indirect_vreg.scatter [tilespmem:s14], [sflag:$0x1], $0x80, v4, vm0, $0xb8;
	[tilespmem:$0xC100] =	vst v63  }
0x88: {  	v3 =	vadd.s32 v1, v3  }
0x89: {  	[hbm4b:s4+s2] =	stream.indirect_vreg.scatter [tilespmem:s15], [sflag:$0x1], $0x80, v4, vm0, $0xb8;
	[tilespmem:$0xC100] =	vst v63  }
0x8a: {  	_ = 	snop  }
0x8b: {  	[hbm4b:s5+s2] =	stream.indirect_vreg.scatter [tilespmem:s16], [sflag:$0x1], $0x80, v4, vm0, $0xb8;
	[tilespmem:$0xC100] =	vst v63  }
0x8c: {  	_ = 	snop  }
0x8d: {  	[hbm4b:s3+s2] =	stream.indirect_vreg.scatter [tilespmem:s17], [sflag:$0x1], $0x80, v3, vm0, $0xb8;
	[tilespmem:$0xC100] =	vst v63  }
0x8e: {  	_ = 	snop  }
0x8f: {  	[hbm4b:s4+s2] =	stream.indirect_vreg.scatter [tilespmem:s18], [sflag:$0x1], $0x80, v3, vm0, $0xb8;
	[tilespmem:$0xC100] =	vst v63  }
0x90: {  	_ = 	snop  }
0x91: {  	[hbm4b:s5+s2] =	stream.indirect_vreg.scatter [tilespmem:s19], [sflag:$0x1], $0x80, v3, vm0, $0xb8;
	[tilespmem:$0xC100] =	vst v63  }
0x92: {  	v3 =	vld [tilespmem:$0xA0];
	_ =	sdelay $0x4  }
0x93: {  	v62 =	vshrl.u32 v3, $0x3  }
0x94: {  	v4 =	vmul.u32 $0x30, v62  }
0x95: {  	v3 =	vand.u32 $0x7, v3  }
0x96: {  	v3 =	vor.u32 v3, v4  }
0x97: {  	v4 =	vperm.xlane v3, v0;
	_ =	sdelay $0x1  }
0x98: {  	v4 =	vadd.s32 v1, v4;
	_ =	sdelay $0x3  }
0x99: {  	v3 =	vperm.xlane v3, v2  }
0x9a: {  	[hbm4b:s3+s2] =	stream.indirect_vreg.scatter [tilespmem:s20], [sflag:$0x1], $0x80, v4, vm0, $0xb8;
	[tilespmem:$0xC100] =	vst v63  }
0x9b: {  	v3 =	vadd.s32 v1, v3  }
0x9c: {  	[hbm4b:s4+s2] =	stream.indirect_vreg.scatter [tilespmem:s21], [sflag:$0x1], $0x80, v4, vm0, $0xb8;
	[tilespmem:$0xC100] =	vst v63  }
0x9d: {  	_ = 	snop  }
0x9e: {  	[hbm4b:s5+s2] =	stream.indirect_vreg.scatter [tilespmem:s22], [sflag:$0x1], $0x80, v4, vm0, $0xb8;
	[tilespmem:$0xC100] =	vst v63  }
0x9f: {  	_ = 	snop  }
0xa0: {  	[hbm4b:s3+s2] =	stream.indirect_vreg.scatter [tilespmem:s23], [sflag:$0x1], $0x80, v3, vm0, $0xb8;
	[tilespmem:$0xC100] =	vst v63  }
0xa1: {  	_ = 	snop  }
0xa2: {  	[hbm4b:s4+s2] =	stream.indirect_vreg.scatter [tilespmem:s24], [sflag:$0x1], $0x80, v3, vm0, $0xb8;
	[tilespmem:$0xC100] =	vst v63  }
0xa3: {  	_ = 	snop  }
0xa4: {  	[hbm4b:s5+s2] =	stream.indirect_vreg.scatter [tilespmem:s25], [sflag:$0x1], $0x80, v3, vm0, $0xb8;
	[tilespmem:$0xC100] =	vst v63  }
0xa5: {  	v3 =	vld [tilespmem:$0xB0];
	_ =	sdelay $0x4  }
0xa6: {  	v63 =	vshrl.u32 v3, $0x3  }
0xa7: {  	v4 =	vmul.u32 $0x30, v63  }
0xa8: {  	v3 =	vand.u32 $0x7, v3  }
0xa9: {  	v3 =	vor.u32 v3, v4  }
0xaa: {  	v4 =	vperm.xlane v3, v0;
	_ =	sdelay $0x1  }
0xab: {  	v4 =	vadd.s32 v1, v4;
	_ =	sdelay $0x3  }
0xac: {  	v3 =	vperm.xlane v3, v2  }
0xad: {  	[hbm4b:s3+s2] =	stream.indirect_vreg.scatter [tilespmem:s26], [sflag:$0x1], $0x80, v4, vm0, $0xb8;
	[tilespmem:$0xC100] =	vst v63  }
0xae: {  	v3 =	vadd.s32 v1, v3  }
0xaf: {  	[hbm4b:s4+s2] =	stream.indirect_vreg.scatter [tilespmem:s28], [sflag:$0x1], $0x80, v4, vm0, $0xb8;
	[tilespmem:$0xC100] =	vst v63  }
0xb0: {  	_ = 	snop  }
0xb1: {  	[hbm4b:s5+s2] =	stream.indirect_vreg.scatter [tilespmem:s29], [sflag:$0x1], $0x80, v4, vm0, $0xb8;
	[tilespmem:$0xC100] =	vst v63  }
0xb2: {  	_ = 	snop  }
0xb3: {  	[hbm4b:s3+s2] =	stream.indirect_vreg.scatter [tilespmem:s30], [sflag:$0x1], $0x80, v3, vm0, $0xb8;
	[tilespmem:$0xC100] =	vst v63  }
0xb4: {  	_ = 	snop  }
0xb5: {  	[hbm4b:s4+s2] =	stream.indirect_vreg.scatter [tilespmem:s31], [sflag:$0x1], $0x80, v3, vm0, $0xb8;
	[tilespmem:$0xC100] =	vst v63  }
0xb6: {  	_ = 	snop  }
0xb7: {  	[hbm4b:s5+s2] =	stream.indirect_vreg.scatter [tilespmem:s1], [sflag:$0x1], $0x80, v3, vm0, $0xb8;
	[tilespmem:$0xC100] =	vst v63  }
0xb8: {  	p0 =	sne.s32 s6, $0x1;
	_ =	swait.ge [sflag:s0], $0xC000  }
.Ltmp0:
0xb9: {  	[sflag:s0] =	ssyncset.done $0x0;
	(pc) =	sbr.rel @p0 .LBB2_1-.Ltmp0, $4  }
0xba: {  	[sflag:s0] =	ssyncadd.s32 $0xFFFF4000  }
0xbb: {  	_ =	swait.ge [sflag:s0], $0xC000  }
0xbc: {  	[sflag:s0] =	ssyncset.done $0x0  }
0xbd: {  	s6 =	sadd.s32 $0xFFFFFFFF, s6;
	[sflag:s0] =	ssyncadd.s32 $0xFFFF4000  }
0xbe: {  	_ =	sfence.sel $0x180000  }
0xbf: {  	[bflag:$0x0] =	sbarrier.arrive $0xFFFF  }
0xc0: {  	_ =	strace $0x90000047  }
0xc1: {  	s0 =	stileid.u32;
	[bflag:$0x2] =	sbarrier.arrive $0xFFFF  }
0xc2: {  	p0 =	sne.s32 s0, $0x0;
	s0 =	rddreg [dreg:$0x2]  }
0xc3: {  	s0 =	sadd.s32 @!p0 $0x100000, s0  }
0xc4: {  	[sflag:s0] =	ssyncadd.tile.s32 @!p0 $0x1;
	_ =	shalt  }
.Lfunc_end2:
_tile_overlayer_lowered:
.L_overlay_start_2:
0xc5: {  	(tag) =	ssettag $0x2  }
0xc6: {  	s0 =	rddreg [dreg:$0x0];
	s2 =	stileid.u32  }
0xc7: {  	s1 =	rddreg [dreg:$0x1];
	p0 =	sne.s32 s2, $0x0  }
0xc8: {  	s3 =	rddreg [dreg:$0x2];
	[bflag:$0x3] =	sbarrier.arrive $0xFFFF;
	s2 =	simm.s32 @!p0 $0x1C02  }
0xc9: {  	[timem:s3], [sflag:s2] =	dma.local @!p0 [hbm:s0], s1  }
0xca: {  	s0 =	simm.s32 @!p0 $0x2  }
0xcb: {  	_ =	swait.ge @!p0 [sflag:s0], s1  }
0xcc: {  	s1 =	ssub.s32 @!p0 $0x0, s1;
	[sflag:s0] =	ssyncset.done @!p0 $0x0  }
0xcd: {  	[sflag:s0] =	ssyncadd.s32 @!p0 s1  }
0xce: {  	[bflag:$0x3] =	sbarrier.arrive $0xFFFF  }
0xcf: {  	_ =	shalt  }

</sc_bundles>
